<compile_context>
chip_gen: v7x
topology: tpu7x:2x2x1
jax: 0.10.2.dev20260603
libtpu: 0.0.44.dev20260713+nightly
codegen_flags: <defaults>
</compile_context>

<pallas_src>
import functools

import jax
import jax.numpy as jnp
from jax import lax
from jax.experimental import pallas as pl
from jax.experimental.pallas import tpu as pltpu
from jax.experimental.pallas import tpu_sc as plsc

N_COLS = 6_400_000
IN_W = 5
OUT_W = 2
BLK_COLS = 1024
N_BLKS = N_COLS // BLK_COLS
GRP = 16
NBUF = 6


def kernel(inputs):
    info = plsc.get_sparse_core_info()
    nw = info.num_cores * info.num_subcores
    nsteps = -(-(-(-N_BLKS // nw)) // NBUF) * NBUF
    nrounds = nsteps // NBUF

    mesh = plsc.VectorSubcoreMesh(core_axis_name="c", subcore_axis_name="s")

    @functools.partial(
        pl.kernel,
        mesh=mesh,
        out_type=jax.ShapeDtypeStruct((OUT_W, N_COLS), jnp.float32),
        scratch_types=[
            pltpu.VMEM((NBUF, IN_W, BLK_COLS), jnp.float32),
            pltpu.VMEM((NBUF, OUT_W, BLK_COLS), jnp.float32),
            [pltpu.SemaphoreType.DMA] * NBUF,
            [pltpu.SemaphoreType.DMA] * NBUF,
        ],
        compiler_params=pltpu.CompilerParams(needs_layout_passes=False),
    )
    def sc_run(in_hbm, out_hbm, in_v, out_v, in_sems, out_sems):
        wid = lax.axis_index("s") * info.num_cores + lax.axis_index("c")
        t0 = wid * N_BLKS // nw

        def in_slab(t):
            base = pl.multiple_of(t * BLK_COLS, BLK_COLS)
            return in_hbm.at[:, pl.ds(base, BLK_COLS)]

        def out_slab(t):
            base = pl.multiple_of(t * BLK_COLS, BLK_COLS)
            return out_hbm.at[:, pl.ds(base, BLK_COLS)]

        def blk_t(k):
            return jnp.minimum(t0 + k, N_BLKS - 1)

        for bi in range(NBUF):
            pltpu.async_copy(in_slab(blk_t(bi)), in_v.at[bi], in_sems[bi])

        def round_body(k, carry):
            for bi in range(NBUF):
                t = blk_t(NBUF * k + bi)
                pltpu.make_async_copy(in_slab(t), in_v.at[bi], in_sems[bi]).wait()

                @pl.when(k >= 1)
                def _():
                    pltpu.make_async_copy(
                        out_v.at[bi], out_slab(t), out_sems[bi]
                    ).wait()

                @plsc.parallel_loop(0, BLK_COLS // GRP, unroll=4)
                def _(g):
                    j = g * GRP
                    a0 = in_v[bi, 0, pl.ds(j, GRP)]
                    a1 = in_v[bi, 1, pl.ds(j, GRP)]
                    a2 = in_v[bi, 2, pl.ds(j, GRP)]
                    a3 = in_v[bi, 3, pl.ds(j, GRP)]
                    a4 = in_v[bi, 4, pl.ds(j, GRP)]
                    out_v[bi, 0, pl.ds(j, GRP)] = a0 * a1 * a2
                    out_v[bi, 1, pl.ds(j, GRP)] = a3 * a4

                pltpu.async_copy(out_v.at[bi], out_slab(t), out_sems[bi])

                @pl.when(k < nrounds - 1)
                def _():
                    tn = blk_t(NBUF * (k + 1) + bi)
                    pltpu.async_copy(in_slab(tn), in_v.at[bi], in_sems[bi])

            return carry

        lax.fori_loop(0, nrounds, round_body, 0)
        for bi in range(NBUF):
            t = blk_t(nsteps - NBUF + bi)
            pltpu.make_async_copy(out_v.at[bi], out_slab(t), out_sems[bi]).wait()

    return sc_run(inputs.T).T

# --- scband reference (transcript-rebuilt; emitter-appended) ---
"""Pipeline reference for scband-my-layer1-11879879544057 (READ-ONLY COPY).

The authoritative reference and input builder live on the scoring server;
editing this copy changes nothing except your own understanding.
"""

import jax, jax.numpy as jnp
import numpy as np


def setup_inputs(seed: int = 0) -> dict:
    key = jax.random.key(seed)
    x = jax.random.normal(key, (6400000, 5), dtype=jnp.float32)
    return {"inputs": x}


def reference(inputs):
    # Faithful translation of:
    #   segments = tf.constant([0, 0, 0, 1, 1])
    #   tf.transpose(tf.math.segment_prod(tf.transpose(inputs), segments))
    segments = jnp.array([0, 0, 0, 1, 1], dtype=jnp.int32)
    xt = jnp.transpose(inputs)  # [5, N]
    # segment_prod over the first axis of xt, 2 segments
    out_t = jax.ops.segment_prod(xt, segments, num_segments=2)  # [2, N]
    return jnp.transpose(out_t)  # [N, 2]

if __name__ == "__main__":
    import jax
    _d = setup_inputs()
    print(jax.jit(kernel)(*tuple(_d.values())))

</pallas_src>

<mosaic_0001>
#map = affine_map<(d0, d1) -> (0, 0)>
module attributes {stable_mosaic.version = 14 : i64} {
  func.func @sc_run(%arg0: i32, %arg1: i32, %arg2: memref<5x6400000xf32, #tpu.memory_space<hbm>>, %arg3: memref<2x6400000xf32, #tpu.memory_space<hbm>>, %arg4: memref<6x5x1024xf32, #tpu.memory_space<vmem>>, %arg5: memref<6x2x1024xf32, #tpu.memory_space<vmem>>, %arg6: memref<!tpu.dma_semaphore, #tpu.memory_space<semaphore_mem>>, %arg7: memref<!tpu.dma_semaphore, #tpu.memory_space<semaphore_mem>>, %arg8: memref<!tpu.dma_semaphore, #tpu.memory_space<semaphore_mem>>, %arg9: memref<!tpu.dma_semaphore, #tpu.memory_space<semaphore_mem>>, %arg10: memref<!tpu.dma_semaphore, #tpu.memory_space<semaphore_mem>>, %arg11: memref<!tpu.dma_semaphore, #tpu.memory_space<semaphore_mem>>, %arg12: memref<!tpu.dma_semaphore, #tpu.memory_space<semaphore_mem>>, %arg13: memref<!tpu.dma_semaphore, #tpu.memory_space<semaphore_mem>>, %arg14: memref<!tpu.dma_semaphore, #tpu.memory_space<semaphore_mem>>, %arg15: memref<!tpu.dma_semaphore, #tpu.memory_space<semaphore_mem>>, %arg16: memref<!tpu.dma_semaphore, #tpu.memory_space<semaphore_mem>>, %arg17: memref<!tpu.dma_semaphore, #tpu.memory_space<semaphore_mem>>) attributes {dimension_semantics = [#tpu.dimension_semantics<core_parallel>, #tpu.dimension_semantics<subcore_parallel>], iteration_bounds = array<i64: 2, 16>, scalar_prefetch = 0 : i64, scratch_operands = 14 : i64, tpu.core_type = #tpu.core_type<sc_vector_subcore>, window_params = [{transform_indices = #map}, {transform_indices = #map}]} {
    %mul3A = arith.constant 2 : i32
    %mul3A_0 = arith.muli %arg1, %mul3A : i32
    %add3A = arith.addi %mul3A_0, %arg0 : i32
    %mul3A_1 = arith.constant 6250 : i32
    %mul3A_2 = arith.muli %add3A, %mul3A_1 : i32
    %jit3A = arith.constant 32 : i32
    %div3A = arith.divsi %mul3A_2, %jit3A : i32
    %sign3A = arith.constant 0 : i32
    %sign3A_3 = arith.cmpi sgt, %mul3A_2, %sign3A : i32
    %sign3A_4 = arith.extui %sign3A_3 : i1 to i32
    %sign3A_5 = arith.constant 0 : i32
    %sign3A_6 = arith.cmpi slt, %mul3A_2, %sign3A_5 : i32
    %sign3A_7 = arith.extui %sign3A_6 : i1 to i32
    %sign3A_8 = arith.subi %sign3A_4, %sign3A_7 : i32
    %sign3A_9 = arith.constant 0 : i32
    %sign3A_10 = arith.cmpi sgt, %jit3A, %sign3A_9 : i32
    %sign3A_11 = arith.extui %sign3A_10 : i1 to i32
    %sign3A_12 = arith.constant 0 : i32
    %sign3A_13 = arith.cmpi slt, %jit3A, %sign3A_12 : i32
    %sign3A_14 = arith.extui %sign3A_13 : i1 to i32
    %sign3A_15 = arith.subi %sign3A_11, %sign3A_14 : i32
    %ne3A = arith.cmpi ne, %sign3A_8, %sign3A_15 : i32
    %rem3A = arith.remsi %mul3A_2, %jit3A : i32
    %ne3A_16 = arith.constant 0 : i32
    %ne3A_17 = arith.cmpi ne, %rem3A, %ne3A_16 : i32
    %and3A = arith.andi %ne3A, %ne3A_17 : i1
    %sub3A = arith.constant 1 : i32
    %sub3A_18 = arith.subi %div3A, %sub3A : i32
    %select_n3A = arith.select %and3A, %sub3A_18, %div3A : i32
    %add3A_19 = arith.constant 0 : i32
    %add3A_20 = arith.addi %select_n3A, %add3A_19 : i32
    %min3A = arith.constant 6249 : i32
    %min3A_21 = arith.minsi %add3A_20, %min3A : i32
    %mul3A_22 = arith.constant 1024 : i32
    %mul3A_23 = arith.muli %min3A_21, %mul3A_22 : i32
    %multiple_of3A = tpu.assume_multiple %mul3A_23, 1024 : i32
    %dma_start3A = arith.constant 0 : i32
    %dma_start3A_24 = arith.constant 0 : i32
    %dma_start3A_25 = arith.constant 0 : i32
    %dma_start3A_26 = tpu.memref_slice %arg4[%dma_start3A, %dma_start3A_24, %dma_start3A_25] : memref<6x5x1024xf32, #tpu.memory_space<vmem>> -> memref<1x5x1024xf32, #tpu.memory_space<vmem>>
    %dma_start3A_27 = tpu.memref_squeeze %dma_start3A_26 : memref<1x5x1024xf32, #tpu.memory_space<vmem>> -> memref<5x1024xf32, #tpu.memory_space<vmem>>
    %dma_start3A_28 = arith.constant 0 : i32
    %dma_start3A_29 = tpu.memref_slice %arg2[%dma_start3A_28, %multiple_of3A] : memref<5x6400000xf32, #tpu.memory_space<hbm>> -> memref<5x1024xf32, #tpu.memory_space<hbm>>
    %dma_start3A_30 = arith.constant 0 : i32
    %dma_start3A_31 = arith.constant 0 : i32
    %dma_start3A_32 = tpu.memref_slice %arg4[%dma_start3A, %dma_start3A_30, %dma_start3A_31] : memref<6x5x1024xf32, #tpu.memory_space<vmem>> -> memref<1x5x1024xf32, #tpu.memory_space<vmem>>
    %dma_start3A_33 = tpu.memref_squeeze %dma_start3A_32 : memref<1x5x1024xf32, #tpu.memory_space<vmem>> -> memref<5x1024xf32, #tpu.memory_space<vmem>>
    %dma_start3A_34 = arith.constant 0 : i32
    %dma_start3A_35 = tpu.memref_slice %arg2[%dma_start3A_34, %multiple_of3A] : memref<5x6400000xf32, #tpu.memory_space<hbm>> -> memref<5x1024xf32, #tpu.memory_space<hbm>>
    tpu.enqueue_dma source(%dma_start3A_35 : memref<5x1024xf32, #tpu.memory_space<hbm>>) target(%dma_start3A_33 : memref<5x1024xf32, #tpu.memory_space<vmem>>) target_semaphore(%arg6 : memref<!tpu.dma_semaphore, #tpu.memory_space<semaphore_mem>>)
    %add3A_36 = arith.constant 1 : i32
    %add3A_37 = arith.addi %select_n3A, %add3A_36 : i32
    %min3A_38 = arith.constant 6249 : i32
    %min3A_39 = arith.minsi %add3A_37, %min3A_38 : i32
    %mul3A_40 = arith.constant 1024 : i32
    %mul3A_41 = arith.muli %min3A_39, %mul3A_40 : i32
    %multiple_of3A_42 = tpu.assume_multiple %mul3A_41, 1024 : i32
    %dma_start3A_43 = arith.constant 1 : i32
    %dma_start3A_44 = arith.constant 0 : i32
    %dma_start3A_45 = arith.constant 0 : i32
    %dma_start3A_46 = tpu.memref_slice %arg4[%dma_start3A_43, %dma_start3A_44, %dma_start3A_45] : memref<6x5x1024xf32, #tpu.memory_space<vmem>> -> memref<1x5x1024xf32, #tpu.memory_space<vmem>>
    %dma_start3A_47 = tpu.memref_squeeze %dma_start3A_46 : memref<1x5x1024xf32, #tpu.memory_space<vmem>> -> memref<5x1024xf32, #tpu.memory_space<vmem>>
    %dma_start3A_48 = arith.constant 0 : i32
    %dma_start3A_49 = tpu.memref_slice %arg2[%dma_start3A_48, %multiple_of3A_42] : memref<5x6400000xf32, #tpu.memory_space<hbm>> -> memref<5x1024xf32, #tpu.memory_space<hbm>>
    %dma_start3A_50 = arith.constant 0 : i32
    %dma_start3A_51 = arith.constant 0 : i32
    %dma_start3A_52 = tpu.memref_slice %arg4[%dma_start3A_43, %dma_start3A_50, %dma_start3A_51] : memref<6x5x1024xf32, #tpu.memory_space<vmem>> -> memref<1x5x1024xf32, #tpu.memory_space<vmem>>
    %dma_start3A_53 = tpu.memref_squeeze %dma_start3A_52 : memref<1x5x1024xf32, #tpu.memory_space<vmem>> -> memref<5x1024xf32, #tpu.memory_space<vmem>>
    %dma_start3A_54 = arith.constant 0 : i32
    %dma_start3A_55 = tpu.memref_slice %arg2[%dma_start3A_54, %multiple_of3A_42] : memref<5x6400000xf32, #tpu.memory_space<hbm>> -> memref<5x1024xf32, #tpu.memory_space<hbm>>
    tpu.enqueue_dma source(%dma_start3A_55 : memref<5x1024xf32, #tpu.memory_space<hbm>>) target(%dma_start3A_53 : memref<5x1024xf32, #tpu.memory_space<vmem>>) target_semaphore(%arg7 : memref<!tpu.dma_semaphore, #tpu.memory_space<semaphore_mem>>)
    %add3A_56 = arith.constant 2 : i32
    %add3A_57 = arith.addi %select_n3A, %add3A_56 : i32
    %min3A_58 = arith.constant 6249 : i32
    %min3A_59 = arith.minsi %add3A_57, %min3A_58 : i32
    %mul3A_60 = arith.constant 1024 : i32
    %mul3A_61 = arith.muli %min3A_59, %mul3A_60 : i32
    %multiple_of3A_62 = tpu.assume_multiple %mul3A_61, 1024 : i32
    %dma_start3A_63 = arith.constant 2 : i32
    %dma_start3A_64 = arith.constant 0 : i32
    %dma_start3A_65 = arith.constant 0 : i32
    %dma_start3A_66 = tpu.memref_slice %arg4[%dma_start3A_63, %dma_start3A_64, %dma_start3A_65] : memref<6x5x1024xf32, #tpu.memory_space<vmem>> -> memref<1x5x1024xf32, #tpu.memory_space<vmem>>
    %dma_start3A_67 = tpu.memref_squeeze %dma_start3A_66 : memref<1x5x1024xf32, #tpu.memory_space<vmem>> -> memref<5x1024xf32, #tpu.memory_space<vmem>>
    %dma_start3A_68 = arith.constant 0 : i32
    %dma_start3A_69 = tpu.memref_slice %arg2[%dma_start3A_68, %multiple_of3A_62] : memref<5x6400000xf32, #tpu.memory_space<hbm>> -> memref<5x1024xf32, #tpu.memory_space<hbm>>
    %dma_start3A_70 = arith.constant 0 : i32
    %dma_start3A_71 = arith.constant 0 : i32
    %dma_start3A_72 = tpu.memref_slice %arg4[%dma_start3A_63, %dma_start3A_70, %dma_start3A_71] : memref<6x5x1024xf32, #tpu.memory_space<vmem>> -> memref<1x5x1024xf32, #tpu.memory_space<vmem>>
    %dma_start3A_73 = tpu.memref_squeeze %dma_start3A_72 : memref<1x5x1024xf32, #tpu.memory_space<vmem>> -> memref<5x1024xf32, #tpu.memory_space<vmem>>
    %dma_start3A_74 = arith.constant 0 : i32
    %dma_start3A_75 = tpu.memref_slice %arg2[%dma_start3A_74, %multiple_of3A_62] : memref<5x6400000xf32, #tpu.memory_space<hbm>> -> memref<5x1024xf32, #tpu.memory_space<hbm>>
    tpu.enqueue_dma source(%dma_start3A_75 : memref<5x1024xf32, #tpu.memory_space<hbm>>) target(%dma_start3A_73 : memref<5x1024xf32, #tpu.memory_space<vmem>>) target_semaphore(%arg8 : memref<!tpu.dma_semaphore, #tpu.memory_space<semaphore_mem>>)
    %add3A_76 = arith.constant 3 : i32
    %add3A_77 = arith.addi %select_n3A, %add3A_76 : i32
    %min3A_78 = arith.constant 6249 : i32
    %min3A_79 = arith.minsi %add3A_77, %min3A_78 : i32
    %mul3A_80 = arith.constant 1024 : i32
    %mul3A_81 = arith.muli %min3A_79, %mul3A_80 : i32
    %multiple_of3A_82 = tpu.assume_multiple %mul3A_81, 1024 : i32
    %dma_start3A_83 = arith.constant 3 : i32
    %dma_start3A_84 = arith.constant 0 : i32
    %dma_start3A_85 = arith.constant 0 : i32
    %dma_start3A_86 = tpu.memref_slice %arg4[%dma_start3A_83, %dma_start3A_84, %dma_start3A_85] : memref<6x5x1024xf32, #tpu.memory_space<vmem>> -> memref<1x5x1024xf32, #tpu.memory_space<vmem>>
    %dma_start3A_87 = tpu.memref_squeeze %dma_start3A_86 : memref<1x5x1024xf32, #tpu.memory_space<vmem>> -> memref<5x1024xf32, #tpu.memory_space<vmem>>
    %dma_start3A_88 = arith.constant 0 : i32
    %dma_start3A_89 = tpu.memref_slice %arg2[%dma_start3A_88, %multiple_of3A_82] : memref<5x6400000xf32, #tpu.memory_space<hbm>> -> memref<5x1024xf32, #tpu.memory_space<hbm>>
    %dma_start3A_90 = arith.constant 0 : i32
    %dma_start3A_91 = arith.constant 0 : i32
    %dma_start3A_92 = tpu.memref_slice %arg4[%dma_start3A_83, %dma_start3A_90, %dma_start3A_91] : memref<6x5x1024xf32, #tpu.memory_space<vmem>> -> memref<1x5x1024xf32, #tpu.memory_space<vmem>>
    %dma_start3A_93 = tpu.memref_squeeze %dma_start3A_92 : memref<1x5x1024xf32, #tpu.memory_space<vmem>> -> memref<5x1024xf32, #tpu.memory_space<vmem>>
    %dma_start3A_94 = arith.constant 0 : i32
    %dma_start3A_95 = tpu.memref_slice %arg2[%dma_start3A_94, %multiple_of3A_82] : memref<5x6400000xf32, #tpu.memory_space<hbm>> -> memref<5x1024xf32, #tpu.memory_space<hbm>>
    tpu.enqueue_dma source(%dma_start3A_95 : memref<5x1024xf32, #tpu.memory_space<hbm>>) target(%dma_start3A_93 : memref<5x1024xf32, #tpu.memory_space<vmem>>) target_semaphore(%arg9 : memref<!tpu.dma_semaphore, #tpu.memory_space<semaphore_mem>>)
    %add3A_96 = arith.constant 4 : i32
    %add3A_97 = arith.addi %select_n3A, %add3A_96 : i32
    %min3A_98 = arith.constant 6249 : i32
    %min3A_99 = arith.minsi %add3A_97, %min3A_98 : i32
    %mul3A_100 = arith.constant 1024 : i32
    %mul3A_101 = arith.muli %min3A_99, %mul3A_100 : i32
    %multiple_of3A_102 = tpu.assume_multiple %mul3A_101, 1024 : i32
    %dma_start3A_103 = arith.constant 4 : i32
    %dma_start3A_104 = arith.constant 0 : i32
    %dma_start3A_105 = arith.constant 0 : i32
    %dma_start3A_106 = tpu.memref_slice %arg4[%dma_start3A_103, %dma_start3A_104, %dma_start3A_105] : memref<6x5x1024xf32, #tpu.memory_space<vmem>> -> memref<1x5x1024xf32, #tpu.memory_space<vmem>>
    %dma_start3A_107 = tpu.memref_squeeze %dma_start3A_106 : memref<1x5x1024xf32, #tpu.memory_space<vmem>> -> memref<5x1024xf32, #tpu.memory_space<vmem>>
    %dma_start3A_108 = arith.constant 0 : i32
    %dma_start3A_109 = tpu.memref_slice %arg2[%dma_start3A_108, %multiple_of3A_102] : memref<5x6400000xf32, #tpu.memory_space<hbm>> -> memref<5x1024xf32, #tpu.memory_space<hbm>>
    %dma_start3A_110 = arith.constant 0 : i32
    %dma_start3A_111 = arith.constant 0 : i32
    %dma_start3A_112 = tpu.memref_slice %arg4[%dma_start3A_103, %dma_start3A_110, %dma_start3A_111] : memref<6x5x1024xf32, #tpu.memory_space<vmem>> -> memref<1x5x1024xf32, #tpu.memory_space<vmem>>
    %dma_start3A_113 = tpu.memref_squeeze %dma_start3A_112 : memref<1x5x1024xf32, #tpu.memory_space<vmem>> -> memref<5x1024xf32, #tpu.memory_space<vmem>>
    %dma_start3A_114 = arith.constant 0 : i32
    %dma_start3A_115 = tpu.memref_slice %arg2[%dma_start3A_114, %multiple_of3A_102] : memref<5x6400000xf32, #tpu.memory_space<hbm>> -> memref<5x1024xf32, #tpu.memory_space<hbm>>
    tpu.enqueue_dma source(%dma_start3A_115 : memref<5x1024xf32, #tpu.memory_space<hbm>>) target(%dma_start3A_113 : memref<5x1024xf32, #tpu.memory_space<vmem>>) target_semaphore(%arg10 : memref<!tpu.dma_semaphore, #tpu.memory_space<semaphore_mem>>)
    %add3A_116 = arith.constant 5 : i32
    %add3A_117 = arith.addi %select_n3A, %add3A_116 : i32
    %min3A_118 = arith.constant 6249 : i32
    %min3A_119 = arith.minsi %add3A_117, %min3A_118 : i32
    %mul3A_120 = arith.constant 1024 : i32
    %mul3A_121 = arith.muli %min3A_119, %mul3A_120 : i32
    %multiple_of3A_122 = tpu.assume_multiple %mul3A_121, 1024 : i32
    %dma_start3A_123 = arith.constant 5 : i32
    %dma_start3A_124 = arith.constant 0 : i32
    %dma_start3A_125 = arith.constant 0 : i32
    %dma_start3A_126 = tpu.memref_slice %arg4[%dma_start3A_123, %dma_start3A_124, %dma_start3A_125] : memref<6x5x1024xf32, #tpu.memory_space<vmem>> -> memref<1x5x1024xf32, #tpu.memory_space<vmem>>
    %dma_start3A_127 = tpu.memref_squeeze %dma_start3A_126 : memref<1x5x1024xf32, #tpu.memory_space<vmem>> -> memref<5x1024xf32, #tpu.memory_space<vmem>>
    %dma_start3A_128 = arith.constant 0 : i32
    %dma_start3A_129 = tpu.memref_slice %arg2[%dma_start3A_128, %multiple_of3A_122] : memref<5x6400000xf32, #tpu.memory_space<hbm>> -> memref<5x1024xf32, #tpu.memory_space<hbm>>
    %dma_start3A_130 = arith.constant 0 : i32
    %dma_start3A_131 = arith.constant 0 : i32
    %dma_start3A_132 = tpu.memref_slice %arg4[%dma_start3A_123, %dma_start3A_130, %dma_start3A_131] : memref<6x5x1024xf32, #tpu.memory_space<vmem>> -> memref<1x5x1024xf32, #tpu.memory_space<vmem>>
    %dma_start3A_133 = tpu.memref_squeeze %dma_start3A_132 : memref<1x5x1024xf32, #tpu.memory_space<vmem>> -> memref<5x1024xf32, #tpu.memory_space<vmem>>
    %dma_start3A_134 = arith.constant 0 : i32
    %dma_start3A_135 = tpu.memref_slice %arg2[%dma_start3A_134, %multiple_of3A_122] : memref<5x6400000xf32, #tpu.memory_space<hbm>> -> memref<5x1024xf32, #tpu.memory_space<hbm>>
    tpu.enqueue_dma source(%dma_start3A_135 : memref<5x1024xf32, #tpu.memory_space<hbm>>) target(%dma_start3A_133 : memref<5x1024xf32, #tpu.memory_space<vmem>>) target_semaphore(%arg11 : memref<!tpu.dma_semaphore, #tpu.memory_space<semaphore_mem>>)
    %scan3A = arith.constant 0 : i32
    %scan3A_136 = arith.constant 0 : i32
    %scan3A_137 = arith.constant 33 : i32
    %scan3A_138 = arith.addi %scan3A_136, %scan3A_137 : i32
    %scan3A_139 = arith.constant 1 : i32
    scf.for %scan3A_260 = %scan3A_136 to %scan3A_138 step %scan3A_139  : i32 {
      %mul3A_261 = arith.constant 6 : i32
      %mul3A_262 = arith.muli %mul3A_261, %scan3A_260 : i32
      %add3A_263 = arith.constant 0 : i32
      %add3A_264 = arith.addi %mul3A_262, %add3A_263 : i32
      %add3A_265 = arith.addi %select_n3A, %add3A_264 : i32
      %min3A_266 = arith.constant 6249 : i32
      %min3A_267 = arith.minsi %add3A_265, %min3A_266 : i32
      %mul3A_268 = arith.constant 1024 : i32
      %mul3A_269 = arith.muli %min3A_267, %mul3A_268 : i32
      %multiple_of3A_270 = tpu.assume_multiple %mul3A_269, 1024 : i32
      %dma_wait3A_271 = arith.constant 0 : i32
      %dma_wait3A_272 = arith.constant 0 : i32
      %dma_wait3A_273 = arith.constant 0 : i32
      %dma_wait3A_274 = tpu.memref_slice %arg4[%dma_wait3A_271, %dma_wait3A_272, %dma_wait3A_273] : memref<6x5x1024xf32, #tpu.memory_space<vmem>> -> memref<1x5x1024xf32, #tpu.memory_space<vmem>>
      %dma_wait3A_275 = tpu.memref_squeeze %dma_wait3A_274 : memref<1x5x1024xf32, #tpu.memory_space<vmem>> -> memref<5x1024xf32, #tpu.memory_space<vmem>>
      %dma_wait3A_276 = arith.constant 0 : i32
      %dma_wait3A_277 = tpu.memref_slice %arg2[%dma_wait3A_276, %multiple_of3A_270] : memref<5x6400000xf32, #tpu.memory_space<hbm>> -> memref<5x1024xf32, #tpu.memory_space<hbm>>
      %dma_wait3A_278 = arith.constant 0 : i32
      %dma_wait3A_279 = arith.constant 0 : i32
      %dma_wait3A_280 = tpu.memref_slice %arg4[%dma_wait3A_271, %dma_wait3A_278, %dma_wait3A_279] : memref<6x5x1024xf32, #tpu.memory_space<vmem>> -> memref<1x5x1024xf32, #tpu.memory_space<vmem>>
      %dma_wait3A_281 = tpu.memref_squeeze %dma_wait3A_280 : memref<1x5x1024xf32, #tpu.memory_space<vmem>> -> memref<5x1024xf32, #tpu.memory_space<vmem>>
      %dma_wait3A_282 = arith.constant 0 : i32
      %dma_wait3A_283 = tpu.memref_slice %arg2[%dma_wait3A_282, %multiple_of3A_270] : memref<5x6400000xf32, #tpu.memory_space<hbm>> -> memref<5x1024xf32, #tpu.memory_space<hbm>>
      tpu.wait_dma2 semaphore(%arg6 : memref<!tpu.dma_semaphore, #tpu.memory_space<semaphore_mem>>) src(%dma_wait3A_283 : memref<5x1024xf32, #tpu.memory_space<hbm>>) dst(%dma_wait3A_281 : memref<5x1024xf32, #tpu.memory_space<vmem>>)
      %ge3A = arith.constant 1 : i32
      %ge3A_284 = arith.cmpi sge, %scan3A_260, %ge3A : i32
      %convert_element_type3A = arith.extui %ge3A_284 : i1 to i32
      %cond3A = arith.constant 0 : i32
      %cond3A_285 = arith.cmpi ne, %convert_element_type3A, %cond3A : i32
      scf.if %cond3A_285 {
        %mul3A_568 = arith.constant 1024 : i32
        %mul3A_569 = arith.muli %min3A_267, %mul3A_568 : i32
        %multiple_of3A_570 = tpu.assume_multiple %mul3A_569, 1024 : i32
        %dma_wait3A_571 = arith.constant 0 : i32
        %dma_wait3A_572 = arith.constant 0 : i32
        %dma_wait3A_573 = arith.constant 0 : i32
        %dma_wait3A_574 = tpu.memref_slice %arg5[%dma_wait3A_571, %dma_wait3A_572, %dma_wait3A_573] : memref<6x2x1024xf32, #tpu.memory_space<vmem>> -> memref<1x2x1024xf32, #tpu.memory_space<vmem>>
        %dma_wait3A_575 = tpu.memref_squeeze %dma_wait3A_574 : memref<1x2x1024xf32, #tpu.memory_space<vmem>> -> memref<2x1024xf32, #tpu.memory_space<vmem>>
        %dma_wait3A_576 = arith.constant 0 : i32
        %dma_wait3A_577 = tpu.memref_slice %arg3[%dma_wait3A_576, %multiple_of3A_570] : memref<2x6400000xf32, #tpu.memory_space<hbm>> -> memref<2x1024xf32, #tpu.memory_space<hbm>>
        %dma_wait3A_578 = arith.constant 0 : i32
        %dma_wait3A_579 = tpu.memref_slice %arg3[%dma_wait3A_578, %multiple_of3A_570] : memref<2x6400000xf32, #tpu.memory_space<hbm>> -> memref<2x1024xf32, #tpu.memory_space<hbm>>
        %dma_wait3A_580 = arith.constant 0 : i32
        %dma_wait3A_581 = arith.constant 0 : i32
        %dma_wait3A_582 = tpu.memref_slice %arg5[%dma_wait3A_571, %dma_wait3A_580, %dma_wait3A_581] : memref<6x2x1024xf32, #tpu.memory_space<vmem>> -> memref<1x2x1024xf32, #tpu.memory_space<vmem>>
        %dma_wait3A_583 = tpu.memref_squeeze %dma_wait3A_582 : memref<1x2x1024xf32, #tpu.memory_space<vmem>> -> memref<2x1024xf32, #tpu.memory_space<vmem>>
        tpu.wait_dma2 semaphore(%arg12 : memref<!tpu.dma_semaphore, #tpu.memory_space<semaphore_mem>>) src(%dma_wait3A_583 : memref<2x1024xf32, #tpu.memory_space<vmem>>) dst(%dma_wait3A_579 : memref<2x1024xf32, #tpu.memory_space<hbm>>)
      } else {
      }
      %parallel_loop3A = arith.constant 0 : i32
      %parallel_loop3A_286 = arith.constant 64 : i32
      %parallel_loop3A_287 = arith.constant 1 : i32
      scf.for %parallel_loop3A_568 = %parallel_loop3A to %parallel_loop3A_286 step %parallel_loop3A_287  : i32 {
        %parallel_loop3A_569 = arith.constant 16 : i32
        %parallel_loop3A_570 = arith.muli %parallel_loop3A_568, %parallel_loop3A_569 : i32
        %parallel_loop3A_571 = arith.constant 0 : i32
        %parallel_loop3A_572 = arith.constant 0 : i32
        %parallel_loop3A_573 = arith.index_cast %parallel_loop3A_571 : i32 to index
        %parallel_loop3A_574 = arith.index_cast %parallel_loop3A_572 : i32 to index
        %parallel_loop3A_575 = arith.index_cast %parallel_loop3A_570 : i32 to index
        %parallel_loop3A_576 = tpu.vector_load %arg4[%parallel_loop3A_573, %parallel_loop3A_574, %parallel_loop3A_575] {strides = array<i32>} : memref<6x5x1024xf32, #tpu.memory_space<vmem>>, vector<16xf32>,
        %parallel_loop3A_577 = arith.constant 0 : i32
        %parallel_loop3A_578 = arith.constant 1 : i32
        %parallel_loop3A_579 = arith.index_cast %parallel_loop3A_577 : i32 to index
        %parallel_loop3A_580 = arith.index_cast %parallel_loop3A_578 : i32 to index
        %parallel_loop3A_581 = arith.index_cast %parallel_loop3A_570 : i32 to index
        %parallel_loop3A_582 = tpu.vector_load %arg4[%parallel_loop3A_579, %parallel_loop3A_580, %parallel_loop3A_581] {strides = array<i32>} : memref<6x5x1024xf32, #tpu.memory_space<vmem>>, vector<16xf32>,
        %parallel_loop3A_583 = arith.constant 0 : i32
        %parallel_loop3A_584 = arith.constant 2 : i32
        %parallel_loop3A_585 = arith.index_cast %parallel_loop3A_583 : i32 to index
        %parallel_loop3A_586 = arith.index_cast %parallel_loop3A_584 : i32 to index
        %parallel_loop3A_587 = arith.index_cast %parallel_loop3A_570 : i32 to index
        %parallel_loop3A_588 = tpu.vector_load %arg4[%parallel_loop3A_585, %parallel_loop3A_586, %parallel_loop3A_587] {strides = array<i32>} : memref<6x5x1024xf32, #tpu.memory_space<vmem>>, vector<16xf32>,
        %parallel_loop3A_589 = arith.constant 0 : i32
        %parallel_loop3A_590 = arith.constant 3 : i32
        %parallel_loop3A_591 = arith.index_cast %parallel_loop3A_589 : i32 to index
        %parallel_loop3A_592 = arith.index_cast %parallel_loop3A_590 : i32 to index
        %parallel_loop3A_593 = arith.index_cast %parallel_loop3A_570 : i32 to index
        %parallel_loop3A_594 = tpu.vector_load %arg4[%parallel_loop3A_591, %parallel_loop3A_592, %parallel_loop3A_593] {strides = array<i32>} : memref<6x5x1024xf32, #tpu.memory_space<vmem>>, vector<16xf32>,
        %parallel_loop3A_595 = arith.constant 0 : i32
        %parallel_loop3A_596 = arith.constant 4 : i32
        %parallel_loop3A_597 = arith.index_cast %parallel_loop3A_595 : i32 to index
        %parallel_loop3A_598 = arith.index_cast %parallel_loop3A_596 : i32 to index
        %parallel_loop3A_599 = arith.index_cast %parallel_loop3A_570 : i32 to index
        %parallel_loop3A_600 = tpu.vector_load %arg4[%parallel_loop3A_597, %parallel_loop3A_598, %parallel_loop3A_599] {strides = array<i32>} : memref<6x5x1024xf32, #tpu.memory_space<vmem>>, vector<16xf32>,
        %parallel_loop3A_601 = arith.mulf %parallel_loop3A_576, %parallel_loop3A_582 : vector<16xf32>
        %parallel_loop3A_602 = arith.mulf %parallel_loop3A_601, %parallel_loop3A_588 : vector<16xf32>
        %parallel_loop3A_603 = arith.constant 0 : i32
        %parallel_loop3A_604 = arith.constant 0 : i32
        %parallel_loop3A_605 = arith.index_cast %parallel_loop3A_603 : i32 to index
        %parallel_loop3A_606 = arith.index_cast %parallel_loop3A_604 : i32 to index
        %parallel_loop3A_607 = arith.index_cast %parallel_loop3A_570 : i32 to index
        %parallel_loop3A_608 = tpu.vector_load %arg5[%parallel_loop3A_605, %parallel_loop3A_606, %parallel_loop3A_607] {strides = array<i32>} : memref<6x2x1024xf32, #tpu.memory_space<vmem>>, vector<16xf32>,
        tpu.vector_store %arg5[%parallel_loop3A_605, %parallel_loop3A_606, %parallel_loop3A_607], %parallel_loop3A_602 {strides = array<i32>} : memref<6x2x1024xf32, #tpu.memory_space<vmem>>, vector<16xf32>,
        %parallel_loop3A_609 = arith.mulf %parallel_loop3A_594, %parallel_loop3A_600 : vector<16xf32>
        %parallel_loop3A_610 = arith.constant 0 : i32
        %parallel_loop3A_611 = arith.constant 1 : i32
        %parallel_loop3A_612 = arith.index_cast %parallel_loop3A_610 : i32 to index
        %parallel_loop3A_613 = arith.index_cast %parallel_loop3A_611 : i32 to index
        %parallel_loop3A_614 = arith.index_cast %parallel_loop3A_570 : i32 to index
        %parallel_loop3A_615 = tpu.vector_load %arg5[%parallel_loop3A_612, %parallel_loop3A_613, %parallel_loop3A_614] {strides = array<i32>} : memref<6x2x1024xf32, #tpu.memory_space<vmem>>, vector<16xf32>,
        tpu.vector_store %arg5[%parallel_loop3A_612, %parallel_loop3A_613, %parallel_loop3A_614], %parallel_loop3A_609 {strides = array<i32>} : memref<6x2x1024xf32, #tpu.memory_space<vmem>>, vector<16xf32>,
      } {sc.loop_unroll_factor = 4 : i64, sc.parallel_access}
      %mul3A_288 = arith.constant 1024 : i32
      %mul3A_289 = arith.muli %min3A_267, %mul3A_288 : i32
      %multiple_of3A_290 = tpu.assume_multiple %mul3A_289, 1024 : i32
      %dma_start3A_291 = arith.constant 0 : i32
      %dma_start3A_292 = arith.constant 0 : i32
      %dma_start3A_293 = arith.constant 0 : i32
      %dma_start3A_294 = tpu.memref_slice %arg5[%dma_start3A_291, %dma_start3A_292, %dma_start3A_293] : memref<6x2x1024xf32, #tpu.memory_space<vmem>> -> memref<1x2x1024xf32, #tpu.memory_space<vmem>>
      %dma_start3A_295 = tpu.memref_squeeze %dma_start3A_294 : memref<1x2x1024xf32, #tpu.memory_space<vmem>> -> memref<2x1024xf32, #tpu.memory_space<vmem>>
      %dma_start3A_296 = arith.constant 0 : i32
      %dma_start3A_297 = tpu.memref_slice %arg3[%dma_start3A_296, %multiple_of3A_290] : memref<2x6400000xf32, #tpu.memory_space<hbm>> -> memref<2x1024xf32, #tpu.memory_space<hbm>>
      %dma_start3A_298 = arith.constant 0 : i32
      %dma_start3A_299 = tpu.memref_slice %arg3[%dma_start3A_298, %multiple_of3A_290] : memref<2x6400000xf32, #tpu.memory_space<hbm>> -> memref<2x1024xf32, #tpu.memory_space<hbm>>
      %dma_start3A_300 = arith.constant 0 : i32
      %dma_start3A_301 = arith.constant 0 : i32
      %dma_start3A_302 = tpu.memref_slice %arg5[%dma_start3A_291, %dma_start3A_300, %dma_start3A_301] : memref<6x2x1024xf32, #tpu.memory_space<vmem>> -> memref<1x2x1024xf32, #tpu.memory_space<vmem>>
      %dma_start3A_303 = tpu.memref_squeeze %dma_start3A_302 : memref<1x2x1024xf32, #tpu.memory_space<vmem>> -> memref<2x1024xf32, #tpu.memory_space<vmem>>
      tpu.enqueue_dma source(%dma_start3A_303 : memref<2x1024xf32, #tpu.memory_space<vmem>>) target(%dma_start3A_299 : memref<2x1024xf32, #tpu.memory_space<hbm>>) target_semaphore(%arg12 : memref<!tpu.dma_semaphore, #tpu.memory_space<semaphore_mem>>)
      %lt3A = arith.constant 32 : i32
      %lt3A_304 = arith.cmpi slt, %scan3A_260, %lt3A : i32
      %convert_element_type3A_305 = arith.extui %lt3A_304 : i1 to i32
      %cond3A_306 = arith.constant 0 : i32
      %cond3A_307 = arith.cmpi ne, %convert_element_type3A_305, %cond3A_306 : i32
      scf.if %cond3A_307 {
        %add3A_568 = arith.constant 1 : i32
        %add3A_569 = arith.addi %scan3A_260, %add3A_568 : i32
        %mul3A_570 = arith.constant 6 : i32
        %mul3A_571 = arith.muli %mul3A_570, %add3A_569 : i32
        %add3A_572 = arith.constant 0 : i32
        %add3A_573 = arith.addi %mul3A_571, %add3A_572 : i32
        %add3A_574 = arith.addi %select_n3A, %add3A_573 : i32
        %min3A_575 = arith.constant 6249 : i32
        %min3A_576 = arith.minsi %add3A_574, %min3A_575 : i32
        %mul3A_577 = arith.constant 1024 : i32
        %mul3A_578 = arith.muli %min3A_576, %mul3A_577 : i32
        %multiple_of3A_579 = tpu.assume_multiple %mul3A_578, 1024 : i32
        %dma_start3A_580 = arith.constant 0 : i32
        %dma_start3A_581 = arith.constant 0 : i32
        %dma_start3A_582 = arith.constant 0 : i32
        %dma_start3A_583 = tpu.memref_slice %arg4[%dma_start3A_580, %dma_start3A_581, %dma_start3A_582] : memref<6x5x1024xf32, #tpu.memory_space<vmem>> -> memref<1x5x1024xf32, #tpu.memory_space<vmem>>
        %dma_start3A_584 = tpu.memref_squeeze %dma_start3A_583 : memref<1x5x1024xf32, #tpu.memory_space<vmem>> -> memref<5x1024xf32, #tpu.memory_space<vmem>>
        %dma_start3A_585 = arith.constant 0 : i32
        %dma_start3A_586 = tpu.memref_slice %arg2[%dma_start3A_585, %multiple_of3A_579] : memref<5x6400000xf32, #tpu.memory_space<hbm>> -> memref<5x1024xf32, #tpu.memory_space<hbm>>
        %dma_start3A_587 = arith.constant 0 : i32
        %dma_start3A_588 = arith.constant 0 : i32
        %dma_start3A_589 = tpu.memref_slice %arg4[%dma_start3A_580, %dma_start3A_587, %dma_start3A_588] : memref<6x5x1024xf32, #tpu.memory_space<vmem>> -> memref<1x5x1024xf32, #tpu.memory_space<vmem>>
        %dma_start3A_590 = tpu.memref_squeeze %dma_start3A_589 : memref<1x5x1024xf32, #tpu.memory_space<vmem>> -> memref<5x1024xf32, #tpu.memory_space<vmem>>
        %dma_start3A_591 = arith.constant 0 : i32
        %dma_start3A_592 = tpu.memref_slice %arg2[%dma_start3A_591, %multiple_of3A_579] : memref<5x6400000xf32, #tpu.memory_space<hbm>> -> memref<5x1024xf32, #tpu.memory_space<hbm>>
        tpu.enqueue_dma source(%dma_start3A_592 : memref<5x1024xf32, #tpu.memory_space<hbm>>) target(%dma_start3A_590 : memref<5x1024xf32, #tpu.memory_space<vmem>>) target_semaphore(%arg6 : memref<!tpu.dma_semaphore, #tpu.memory_space<semaphore_mem>>)
      } else {
      }
      %mul3A_308 = arith.constant 6 : i32
      %mul3A_309 = arith.muli %mul3A_308, %scan3A_260 : i32
      %add3A_310 = arith.constant 1 : i32
      %add3A_311 = arith.addi %mul3A_309, %add3A_310 : i32
      %add3A_312 = arith.addi %select_n3A, %add3A_311 : i32
      %min3A_313 = arith.constant 6249 : i32
      %min3A_314 = arith.minsi %add3A_312, %min3A_313 : i32
      %mul3A_315 = arith.constant 1024 : i32
      %mul3A_316 = arith.muli %min3A_314, %mul3A_315 : i32
      %multiple_of3A_317 = tpu.assume_multiple %mul3A_316, 1024 : i32
      %dma_wait3A_318 = arith.constant 1 : i32
      %dma_wait3A_319 = arith.constant 0 : i32
      %dma_wait3A_320 = arith.constant 0 : i32
      %dma_wait3A_321 = tpu.memref_slice %arg4[%dma_wait3A_318, %dma_wait3A_319, %dma_wait3A_320] : memref<6x5x1024xf32, #tpu.memory_space<vmem>> -> memref<1x5x1024xf32, #tpu.memory_space<vmem>>
      %dma_wait3A_322 = tpu.memref_squeeze %dma_wait3A_321 : memref<1x5x1024xf32, #tpu.memory_space<vmem>> -> memref<5x1024xf32, #tpu.memory_space<vmem>>
      %dma_wait3A_323 = arith.constant 0 : i32
      %dma_wait3A_324 = tpu.memref_slice %arg2[%dma_wait3A_323, %multiple_of3A_317] : memref<5x6400000xf32, #tpu.memory_space<hbm>> -> memref<5x1024xf32, #tpu.memory_space<hbm>>
      %dma_wait3A_325 = arith.constant 0 : i32
      %dma_wait3A_326 = arith.constant 0 : i32
      %dma_wait3A_327 = tpu.memref_slice %arg4[%dma_wait3A_318, %dma_wait3A_325, %dma_wait3A_326] : memref<6x5x1024xf32, #tpu.memory_space<vmem>> -> memref<1x5x1024xf32, #tpu.memory_space<vmem>>
      %dma_wait3A_328 = tpu.memref_squeeze %dma_wait3A_327 : memref<1x5x1024xf32, #tpu.memory_space<vmem>> -> memref<5x1024xf32, #tpu.memory_space<vmem>>
      %dma_wait3A_329 = arith.constant 0 : i32
      %dma_wait3A_330 = tpu.memref_slice %arg2[%dma_wait3A_329, %multiple_of3A_317] : memref<5x6400000xf32, #tpu.memory_space<hbm>> -> memref<5x1024xf32, #tpu.memory_space<hbm>>
      tpu.wait_dma2 semaphore(%arg7 : memref<!tpu.dma_semaphore, #tpu.memory_space<semaphore_mem>>) src(%dma_wait3A_330 : memref<5x1024xf32, #tpu.memory_space<hbm>>) dst(%dma_wait3A_328 : memref<5x1024xf32, #tpu.memory_space<vmem>>)
      %ge3A_331 = arith.constant 1 : i32
      %ge3A_332 = arith.cmpi sge, %scan3A_260, %ge3A_331 : i32
      %convert_element_type3A_333 = arith.extui %ge3A_332 : i1 to i32
      %cond3A_334 = arith.constant 0 : i32
      %cond3A_335 = arith.cmpi ne, %convert_element_type3A_333, %cond3A_334 : i32
      scf.if %cond3A_335 {
        %mul3A_568 = arith.constant 1024 : i32
        %mul3A_569 = arith.muli %min3A_314, %mul3A_568 : i32
        %multiple_of3A_570 = tpu.assume_multiple %mul3A_569, 1024 : i32
        %dma_wait3A_571 = arith.constant 1 : i32
        %dma_wait3A_572 = arith.constant 0 : i32
        %dma_wait3A_573 = arith.constant 0 : i32
        %dma_wait3A_574 = tpu.memref_slice %arg5[%dma_wait3A_571, %dma_wait3A_572, %dma_wait3A_573] : memref<6x2x1024xf32, #tpu.memory_space<vmem>> -> memref<1x2x1024xf32, #tpu.memory_space<vmem>>
        %dma_wait3A_575 = tpu.memref_squeeze %dma_wait3A_574 : memref<1x2x1024xf32, #tpu.memory_space<vmem>> -> memref<2x1024xf32, #tpu.memory_space<vmem>>
        %dma_wait3A_576 = arith.constant 0 : i32
        %dma_wait3A_577 = tpu.memref_slice %arg3[%dma_wait3A_576, %multiple_of3A_570] : memref<2x6400000xf32, #tpu.memory_space<hbm>> -> memref<2x1024xf32, #tpu.memory_space<hbm>>
        %dma_wait3A_578 = arith.constant 0 : i32
        %dma_wait3A_579 = tpu.memref_slice %arg3[%dma_wait3A_578, %multiple_of3A_570] : memref<2x6400000xf32, #tpu.memory_space<hbm>> -> memref<2x1024xf32, #tpu.memory_space<hbm>>
        %dma_wait3A_580 = arith.constant 0 : i32
        %dma_wait3A_581 = arith.constant 0 : i32
        %dma_wait3A_582 = tpu.memref_slice %arg5[%dma_wait3A_571, %dma_wait3A_580, %dma_wait3A_581] : memref<6x2x1024xf32, #tpu.memory_space<vmem>> -> memref<1x2x1024xf32, #tpu.memory_space<vmem>>
        %dma_wait3A_583 = tpu.memref_squeeze %dma_wait3A_582 : memref<1x2x1024xf32, #tpu.memory_space<vmem>> -> memref<2x1024xf32, #tpu.memory_space<vmem>>
        tpu.wait_dma2 semaphore(%arg13 : memref<!tpu.dma_semaphore, #tpu.memory_space<semaphore_mem>>) src(%dma_wait3A_583 : memref<2x1024xf32, #tpu.memory_space<vmem>>) dst(%dma_wait3A_579 : memref<2x1024xf32, #tpu.memory_space<hbm>>)
      } else {
      }
      %parallel_loop3A_336 = arith.constant 0 : i32
      %parallel_loop3A_337 = arith.constant 64 : i32
      %parallel_loop3A_338 = arith.constant 1 : i32
      scf.for %parallel_loop3A_568 = %parallel_loop3A_336 to %parallel_loop3A_337 step %parallel_loop3A_338  : i32 {
        %parallel_loop3A_569 = arith.constant 16 : i32
        %parallel_loop3A_570 = arith.muli %parallel_loop3A_568, %parallel_loop3A_569 : i32
        %parallel_loop3A_571 = arith.constant 1 : i32
        %parallel_loop3A_572 = arith.constant 0 : i32
        %parallel_loop3A_573 = arith.index_cast %parallel_loop3A_571 : i32 to index
        %parallel_loop3A_574 = arith.index_cast %parallel_loop3A_572 : i32 to index
        %parallel_loop3A_575 = arith.index_cast %parallel_loop3A_570 : i32 to index
        %parallel_loop3A_576 = tpu.vector_load %arg4[%parallel_loop3A_573, %parallel_loop3A_574, %parallel_loop3A_575] {strides = array<i32>} : memref<6x5x1024xf32, #tpu.memory_space<vmem>>, vector<16xf32>,
        %parallel_loop3A_577 = arith.constant 1 : i32
        %parallel_loop3A_578 = arith.constant 1 : i32
        %parallel_loop3A_579 = arith.index_cast %parallel_loop3A_577 : i32 to index
        %parallel_loop3A_580 = arith.index_cast %parallel_loop3A_578 : i32 to index
        %parallel_loop3A_581 = arith.index_cast %parallel_loop3A_570 : i32 to index
        %parallel_loop3A_582 = tpu.vector_load %arg4[%parallel_loop3A_579, %parallel_loop3A_580, %parallel_loop3A_581] {strides = array<i32>} : memref<6x5x1024xf32, #tpu.memory_space<vmem>>, vector<16xf32>,
        %parallel_loop3A_583 = arith.constant 1 : i32
        %parallel_loop3A_584 = arith.constant 2 : i32
        %parallel_loop3A_585 = arith.index_cast %parallel_loop3A_583 : i32 to index
        %parallel_loop3A_586 = arith.index_cast %parallel_loop3A_584 : i32 to index
        %parallel_loop3A_587 = arith.index_cast %parallel_loop3A_570 : i32 to index
        %parallel_loop3A_588 = tpu.vector_load %arg4[%parallel_loop3A_585, %parallel_loop3A_586, %parallel_loop3A_587] {strides = array<i32>} : memref<6x5x1024xf32, #tpu.memory_space<vmem>>, vector<16xf32>,
        %parallel_loop3A_589 = arith.constant 1 : i32
        %parallel_loop3A_590 = arith.constant 3 : i32
        %parallel_loop3A_591 = arith.index_cast %parallel_loop3A_589 : i32 to index
        %parallel_loop3A_592 = arith.index_cast %parallel_loop3A_590 : i32 to index
        %parallel_loop3A_593 = arith.index_cast %parallel_loop3A_570 : i32 to index
        %parallel_loop3A_594 = tpu.vector_load %arg4[%parallel_loop3A_591, %parallel_loop3A_592, %parallel_loop3A_593] {strides = array<i32>} : memref<6x5x1024xf32, #tpu.memory_space<vmem>>, vector<16xf32>,
        %parallel_loop3A_595 = arith.constant 1 : i32
        %parallel_loop3A_596 = arith.constant 4 : i32
        %parallel_loop3A_597 = arith.index_cast %parallel_loop3A_595 : i32 to index
        %parallel_loop3A_598 = arith.index_cast %parallel_loop3A_596 : i32 to index
        %parallel_loop3A_599 = arith.index_cast %parallel_loop3A_570 : i32 to index
        %parallel_loop3A_600 = tpu.vector_load %arg4[%parallel_loop3A_597, %parallel_loop3A_598, %parallel_loop3A_599] {strides = array<i32>} : memref<6x5x1024xf32, #tpu.memory_space<vmem>>, vector<16xf32>,
        %parallel_loop3A_601 = arith.mulf %parallel_loop3A_576, %parallel_loop3A_582 : vector<16xf32>
        %parallel_loop3A_602 = arith.mulf %parallel_loop3A_601, %parallel_loop3A_588 : vector<16xf32>
        %parallel_loop3A_603 = arith.constant 1 : i32
        %parallel_loop3A_604 = arith.constant 0 : i32
        %parallel_loop3A_605 = arith.index_cast %parallel_loop3A_603 : i32 to index
        %parallel_loop3A_606 = arith.index_cast %parallel_loop3A_604 : i32 to index
        %parallel_loop3A_607 = arith.index_cast %parallel_loop3A_570 : i32 to index
        %parallel_loop3A_608 = tpu.vector_load %arg5[%parallel_loop3A_605, %parallel_loop3A_606, %parallel_loop3A_607] {strides = array<i32>} : memref<6x2x1024xf32, #tpu.memory_space<vmem>>, vector<16xf32>,
        tpu.vector_store %arg5[%parallel_loop3A_605, %parallel_loop3A_606, %parallel_loop3A_607], %parallel_loop3A_602 {strides = array<i32>} : memref<6x2x1024xf32, #tpu.memory_space<vmem>>, vector<16xf32>,
        %parallel_loop3A_609 = arith.mulf %parallel_loop3A_594, %parallel_loop3A_600 : vector<16xf32>
        %parallel_loop3A_610 = arith.constant 1 : i32
        %parallel_loop3A_611 = arith.constant 1 : i32
        %parallel_loop3A_612 = arith.index_cast %parallel_loop3A_610 : i32 to index
        %parallel_loop3A_613 = arith.index_cast %parallel_loop3A_611 : i32 to index
        %parallel_loop3A_614 = arith.index_cast %parallel_loop3A_570 : i32 to index
        %parallel_loop3A_615 = tpu.vector_load %arg5[%parallel_loop3A_612, %parallel_loop3A_613, %parallel_loop3A_614] {strides = array<i32>} : memref<6x2x1024xf32, #tpu.memory_space<vmem>>, vector<16xf32>,
        tpu.vector_store %arg5[%parallel_loop3A_612, %parallel_loop3A_613, %parallel_loop3A_614], %parallel_loop3A_609 {strides = array<i32>} : memref<6x2x1024xf32, #tpu.memory_space<vmem>>, vector<16xf32>,
      } {sc.loop_unroll_factor = 4 : i64, sc.parallel_access}
      %mul3A_339 = arith.constant 1024 : i32
      %mul3A_340 = arith.muli %min3A_314, %mul3A_339 : i32
      %multiple_of3A_341 = tpu.assume_multiple %mul3A_340, 1024 : i32
      %dma_start3A_342 = arith.constant 1 : i32
      %dma_start3A_343 = arith.constant 0 : i32
      %dma_start3A_344 = arith.constant 0 : i32
      %dma_start3A_345 = tpu.memref_slice %arg5[%dma_start3A_342, %dma_start3A_343, %dma_start3A_344] : memref<6x2x1024xf32, #tpu.memory_space<vmem>> -> memref<1x2x1024xf32, #tpu.memory_space<vmem>>
      %dma_start3A_346 = tpu.memref_squeeze %dma_start3A_345 : memref<1x2x1024xf32, #tpu.memory_space<vmem>> -> memref<2x1024xf32, #tpu.memory_space<vmem>>
      %dma_start3A_347 = arith.constant 0 : i32
      %dma_start3A_348 = tpu.memref_slice %arg3[%dma_start3A_347, %multiple_of3A_341] : memref<2x6400000xf32, #tpu.memory_space<hbm>> -> memref<2x1024xf32, #tpu.memory_space<hbm>>
      %dma_start3A_349 = arith.constant 0 : i32
      %dma_start3A_350 = tpu.memref_slice %arg3[%dma_start3A_349, %multiple_of3A_341] : memref<2x6400000xf32, #tpu.memory_space<hbm>> -> memref<2x1024xf32, #tpu.memory_space<hbm>>
      %dma_start3A_351 = arith.constant 0 : i32
      %dma_start3A_352 = arith.constant 0 : i32
      %dma_start3A_353 = tpu.memref_slice %arg5[%dma_start3A_342, %dma_start3A_351, %dma_start3A_352] : memref<6x2x1024xf32, #tpu.memory_space<vmem>> -> memref<1x2x1024xf32, #tpu.memory_space<vmem>>
      %dma_start3A_354 = tpu.memref_squeeze %dma_start3A_353 : memref<1x2x1024xf32, #tpu.memory_space<vmem>> -> memref<2x1024xf32, #tpu.memory_space<vmem>>
      tpu.enqueue_dma source(%dma_start3A_354 : memref<2x1024xf32, #tpu.memory_space<vmem>>) target(%dma_start3A_350 : memref<2x1024xf32, #tpu.memory_space<hbm>>) target_semaphore(%arg13 : memref<!tpu.dma_semaphore, #tpu.memory_space<semaphore_mem>>)
      %lt3A_355 = arith.constant 32 : i32
      %lt3A_356 = arith.cmpi slt, %scan3A_260, %lt3A_355 : i32
      %convert_element_type3A_357 = arith.extui %lt3A_356 : i1 to i32
      %cond3A_358 = arith.constant 0 : i32
      %cond3A_359 = arith.cmpi ne, %convert_element_type3A_357, %cond3A_358 : i32
      scf.if %cond3A_359 {
        %add3A_568 = arith.constant 1 : i32
        %add3A_569 = arith.addi %scan3A_260, %add3A_568 : i32
        %mul3A_570 = arith.constant 6 : i32
        %mul3A_571 = arith.muli %mul3A_570, %add3A_569 : i32
        %add3A_572 = arith.constant 1 : i32
        %add3A_573 = arith.addi %mul3A_571, %add3A_572 : i32
        %add3A_574 = arith.addi %select_n3A, %add3A_573 : i32
        %min3A_575 = arith.constant 6249 : i32
        %min3A_576 = arith.minsi %add3A_574, %min3A_575 : i32
        %mul3A_577 = arith.constant 1024 : i32
        %mul3A_578 = arith.muli %min3A_576, %mul3A_577 : i32
        %multiple_of3A_579 = tpu.assume_multiple %mul3A_578, 1024 : i32
        %dma_start3A_580 = arith.constant 1 : i32
        %dma_start3A_581 = arith.constant 0 : i32
        %dma_start3A_582 = arith.constant 0 : i32
        %dma_start3A_583 = tpu.memref_slice %arg4[%dma_start3A_580, %dma_start3A_581, %dma_start3A_582] : memref<6x5x1024xf32, #tpu.memory_space<vmem>> -> memref<1x5x1024xf32, #tpu.memory_space<vmem>>
        %dma_start3A_584 = tpu.memref_squeeze %dma_start3A_583 : memref<1x5x1024xf32, #tpu.memory_space<vmem>> -> memref<5x1024xf32, #tpu.memory_space<vmem>>
        %dma_start3A_585 = arith.constant 0 : i32
        %dma_start3A_586 = tpu.memref_slice %arg2[%dma_start3A_585, %multiple_of3A_579] : memref<5x6400000xf32, #tpu.memory_space<hbm>> -> memref<5x1024xf32, #tpu.memory_space<hbm>>
        %dma_start3A_587 = arith.constant 0 : i32
        %dma_start3A_588 = arith.constant 0 : i32
        %dma_start3A_589 = tpu.memref_slice %arg4[%dma_start3A_580, %dma_start3A_587, %dma_start3A_588] : memref<6x5x1024xf32, #tpu.memory_space<vmem>> -> memref<1x5x1024xf32, #tpu.memory_space<vmem>>
        %dma_start3A_590 = tpu.memref_squeeze %dma_start3A_589 : memref<1x5x1024xf32, #tpu.memory_space<vmem>> -> memref<5x1024xf32, #tpu.memory_space<vmem>>
        %dma_start3A_591 = arith.constant 0 : i32
        %dma_start3A_592 = tpu.memref_slice %arg2[%dma_start3A_591, %multiple_of3A_579] : memref<5x6400000xf32, #tpu.memory_space<hbm>> -> memref<5x1024xf32, #tpu.memory_space<hbm>>
        tpu.enqueue_dma source(%dma_start3A_592 : memref<5x1024xf32, #tpu.memory_space<hbm>>) target(%dma_start3A_590 : memref<5x1024xf32, #tpu.memory_space<vmem>>) target_semaphore(%arg7 : memref<!tpu.dma_semaphore, #tpu.memory_space<semaphore_mem>>)
      } else {
      }
      %mul3A_360 = arith.constant 6 : i32
      %mul3A_361 = arith.muli %mul3A_360, %scan3A_260 : i32
      %add3A_362 = arith.constant 2 : i32
      %add3A_363 = arith.addi %mul3A_361, %add3A_362 : i32
      %add3A_364 = arith.addi %select_n3A, %add3A_363 : i32
      %min3A_365 = arith.constant 6249 : i32
      %min3A_366 = arith.minsi %add3A_364, %min3A_365 : i32
      %mul3A_367 = arith.constant 1024 : i32
      %mul3A_368 = arith.muli %min3A_366, %mul3A_367 : i32
      %multiple_of3A_369 = tpu.assume_multiple %mul3A_368, 1024 : i32
      %dma_wait3A_370 = arith.constant 2 : i32
      %dma_wait3A_371 = arith.constant 0 : i32
      %dma_wait3A_372 = arith.constant 0 : i32
      %dma_wait3A_373 = tpu.memref_slice %arg4[%dma_wait3A_370, %dma_wait3A_371, %dma_wait3A_372] : memref<6x5x1024xf32, #tpu.memory_space<vmem>> -> memref<1x5x1024xf32, #tpu.memory_space<vmem>>
      %dma_wait3A_374 = tpu.memref_squeeze %dma_wait3A_373 : memref<1x5x1024xf32, #tpu.memory_space<vmem>> -> memref<5x1024xf32, #tpu.memory_space<vmem>>
      %dma_wait3A_375 = arith.constant 0 : i32
      %dma_wait3A_376 = tpu.memref_slice %arg2[%dma_wait3A_375, %multiple_of3A_369] : memref<5x6400000xf32, #tpu.memory_space<hbm>> -> memref<5x1024xf32, #tpu.memory_space<hbm>>
      %dma_wait3A_377 = arith.constant 0 : i32
      %dma_wait3A_378 = arith.constant 0 : i32
      %dma_wait3A_379 = tpu.memref_slice %arg4[%dma_wait3A_370, %dma_wait3A_377, %dma_wait3A_378] : memref<6x5x1024xf32, #tpu.memory_space<vmem>> -> memref<1x5x1024xf32, #tpu.memory_space<vmem>>
      %dma_wait3A_380 = tpu.memref_squeeze %dma_wait3A_379 : memref<1x5x1024xf32, #tpu.memory_space<vmem>> -> memref<5x1024xf32, #tpu.memory_space<vmem>>
      %dma_wait3A_381 = arith.constant 0 : i32
      %dma_wait3A_382 = tpu.memref_slice %arg2[%dma_wait3A_381, %multiple_of3A_369] : memref<5x6400000xf32, #tpu.memory_space<hbm>> -> memref<5x1024xf32, #tpu.memory_space<hbm>>
      tpu.wait_dma2 semaphore(%arg8 : memref<!tpu.dma_semaphore, #tpu.memory_space<semaphore_mem>>) src(%dma_wait3A_382 : memref<5x1024xf32, #tpu.memory_space<hbm>>) dst(%dma_wait3A_380 : memref<5x1024xf32, #tpu.memory_space<vmem>>)
      %ge3A_383 = arith.constant 1 : i32
      %ge3A_384 = arith.cmpi sge, %scan3A_260, %ge3A_383 : i32
      %convert_element_type3A_385 = arith.extui %ge3A_384 : i1 to i32
      %cond3A_386 = arith.constant 0 : i32
      %cond3A_387 = arith.cmpi ne, %convert_element_type3A_385, %cond3A_386 : i32
      scf.if %cond3A_387 {
        %mul3A_568 = arith.constant 1024 : i32
        %mul3A_569 = arith.muli %min3A_366, %mul3A_568 : i32
        %multiple_of3A_570 = tpu.assume_multiple %mul3A_569, 1024 : i32
        %dma_wait3A_571 = arith.constant 2 : i32
        %dma_wait3A_572 = arith.constant 0 : i32
        %dma_wait3A_573 = arith.constant 0 : i32
        %dma_wait3A_574 = tpu.memref_slice %arg5[%dma_wait3A_571, %dma_wait3A_572, %dma_wait3A_573] : memref<6x2x1024xf32, #tpu.memory_space<vmem>> -> memref<1x2x1024xf32, #tpu.memory_space<vmem>>
        %dma_wait3A_575 = tpu.memref_squeeze %dma_wait3A_574 : memref<1x2x1024xf32, #tpu.memory_space<vmem>> -> memref<2x1024xf32, #tpu.memory_space<vmem>>
        %dma_wait3A_576 = arith.constant 0 : i32
        %dma_wait3A_577 = tpu.memref_slice %arg3[%dma_wait3A_576, %multiple_of3A_570] : memref<2x6400000xf32, #tpu.memory_space<hbm>> -> memref<2x1024xf32, #tpu.memory_space<hbm>>
        %dma_wait3A_578 = arith.constant 0 : i32
        %dma_wait3A_579 = tpu.memref_slice %arg3[%dma_wait3A_578, %multiple_of3A_570] : memref<2x6400000xf32, #tpu.memory_space<hbm>> -> memref<2x1024xf32, #tpu.memory_space<hbm>>
        %dma_wait3A_580 = arith.constant 0 : i32
        %dma_wait3A_581 = arith.constant 0 : i32
        %dma_wait3A_582 = tpu.memref_slice %arg5[%dma_wait3A_571, %dma_wait3A_580, %dma_wait3A_581] : memref<6x2x1024xf32, #tpu.memory_space<vmem>> -> memref<1x2x1024xf32, #tpu.memory_space<vmem>>
        %dma_wait3A_583 = tpu.memref_squeeze %dma_wait3A_582 : memref<1x2x1024xf32, #tpu.memory_space<vmem>> -> memref<2x1024xf32, #tpu.memory_space<vmem>>
        tpu.wait_dma2 semaphore(%arg14 : memref<!tpu.dma_semaphore, #tpu.memory_space<semaphore_mem>>) src(%dma_wait3A_583 : memref<2x1024xf32, #tpu.memory_space<vmem>>) dst(%dma_wait3A_579 : memref<2x1024xf32, #tpu.memory_space<hbm>>)
      } else {
      }
      %parallel_loop3A_388 = arith.constant 0 : i32
      %parallel_loop3A_389 = arith.constant 64 : i32
      %parallel_loop3A_390 = arith.constant 1 : i32
      scf.for %parallel_loop3A_568 = %parallel_loop3A_388 to %parallel_loop3A_389 step %parallel_loop3A_390  : i32 {
        %parallel_loop3A_569 = arith.constant 16 : i32
        %parallel_loop3A_570 = arith.muli %parallel_loop3A_568, %parallel_loop3A_569 : i32
        %parallel_loop3A_571 = arith.constant 2 : i32
        %parallel_loop3A_572 = arith.constant 0 : i32
        %parallel_loop3A_573 = arith.index_cast %parallel_loop3A_571 : i32 to index
        %parallel_loop3A_574 = arith.index_cast %parallel_loop3A_572 : i32 to index
        %parallel_loop3A_575 = arith.index_cast %parallel_loop3A_570 : i32 to index
        %parallel_loop3A_576 = tpu.vector_load %arg4[%parallel_loop3A_573, %parallel_loop3A_574, %parallel_loop3A_575] {strides = array<i32>} : memref<6x5x1024xf32, #tpu.memory_space<vmem>>, vector<16xf32>,
        %parallel_loop3A_577 = arith.constant 2 : i32
        %parallel_loop3A_578 = arith.constant 1 : i32
        %parallel_loop3A_579 = arith.index_cast %parallel_loop3A_577 : i32 to index
        %parallel_loop3A_580 = arith.index_cast %parallel_loop3A_578 : i32 to index
        %parallel_loop3A_581 = arith.index_cast %parallel_loop3A_570 : i32 to index
        %parallel_loop3A_582 = tpu.vector_load %arg4[%parallel_loop3A_579, %parallel_loop3A_580, %parallel_loop3A_581] {strides = array<i32>} : memref<6x5x1024xf32, #tpu.memory_space<vmem>>, vector<16xf32>,
        %parallel_loop3A_583 = arith.constant 2 : i32
        %parallel_loop3A_584 = arith.constant 2 : i32
        %parallel_loop3A_585 = arith.index_cast %parallel_loop3A_583 : i32 to index
        %parallel_loop3A_586 = arith.index_cast %parallel_loop3A_584 : i32 to index
        %parallel_loop3A_587 = arith.index_cast %parallel_loop3A_570 : i32 to index
        %parallel_loop3A_588 = tpu.vector_load %arg4[%parallel_loop3A_585, %parallel_loop3A_586, %parallel_loop3A_587] {strides = array<i32>} : memref<6x5x1024xf32, #tpu.memory_space<vmem>>, vector<16xf32>,
        %parallel_loop3A_589 = arith.constant 2 : i32
        %parallel_loop3A_590 = arith.constant 3 : i32
        %parallel_loop3A_591 = arith.index_cast %parallel_loop3A_589 : i32 to index
        %parallel_loop3A_592 = arith.index_cast %parallel_loop3A_590 : i32 to index
        %parallel_loop3A_593 = arith.index_cast %parallel_loop3A_570 : i32 to index
        %parallel_loop3A_594 = tpu.vector_load %arg4[%parallel_loop3A_591, %parallel_loop3A_592, %parallel_loop3A_593] {strides = array<i32>} : memref<6x5x1024xf32, #tpu.memory_space<vmem>>, vector<16xf32>,
        %parallel_loop3A_595 = arith.constant 2 : i32
        %parallel_loop3A_596 = arith.constant 4 : i32
        %parallel_loop3A_597 = arith.index_cast %parallel_loop3A_595 : i32 to index
        %parallel_loop3A_598 = arith.index_cast %parallel_loop3A_596 : i32 to index
        %parallel_loop3A_599 = arith.index_cast %parallel_loop3A_570 : i32 to index
        %parallel_loop3A_600 = tpu.vector_load %arg4[%parallel_loop3A_597, %parallel_loop3A_598, %parallel_loop3A_599] {strides = array<i32>} : memref<6x5x1024xf32, #tpu.memory_space<vmem>>, vector<16xf32>,
        %parallel_loop3A_601 = arith.mulf %parallel_loop3A_576, %parallel_loop3A_582 : vector<16xf32>
        %parallel_loop3A_602 = arith.mulf %parallel_loop3A_601, %parallel_loop3A_588 : vector<16xf32>
        %parallel_loop3A_603 = arith.constant 2 : i32
        %parallel_loop3A_604 = arith.constant 0 : i32
        %parallel_loop3A_605 = arith.index_cast %parallel_loop3A_603 : i32 to index
        %parallel_loop3A_606 = arith.index_cast %parallel_loop3A_604 : i32 to index
        %parallel_loop3A_607 = arith.index_cast %parallel_loop3A_570 : i32 to index
        %parallel_loop3A_608 = tpu.vector_load %arg5[%parallel_loop3A_605, %parallel_loop3A_606, %parallel_loop3A_607] {strides = array<i32>} : memref<6x2x1024xf32, #tpu.memory_space<vmem>>, vector<16xf32>,
        tpu.vector_store %arg5[%parallel_loop3A_605, %parallel_loop3A_606, %parallel_loop3A_607], %parallel_loop3A_602 {strides = array<i32>} : memref<6x2x1024xf32, #tpu.memory_space<vmem>>, vector<16xf32>,
        %parallel_loop3A_609 = arith.mulf %parallel_loop3A_594, %parallel_loop3A_600 : vector<16xf32>
        %parallel_loop3A_610 = arith.constant 2 : i32
        %parallel_loop3A_611 = arith.constant 1 : i32
        %parallel_loop3A_612 = arith.index_cast %parallel_loop3A_610 : i32 to index
        %parallel_loop3A_613 = arith.index_cast %parallel_loop3A_611 : i32 to index
        %parallel_loop3A_614 = arith.index_cast %parallel_loop3A_570 : i32 to index
        %parallel_loop3A_615 = tpu.vector_load %arg5[%parallel_loop3A_612, %parallel_loop3A_613, %parallel_loop3A_614] {strides = array<i32>} : memref<6x2x1024xf32, #tpu.memory_space<vmem>>, vector<16xf32>,
        tpu.vector_store %arg5[%parallel_loop3A_612, %parallel_loop3A_613, %parallel_loop3A_614], %parallel_loop3A_609 {strides = array<i32>} : memref<6x2x1024xf32, #tpu.memory_space<vmem>>, vector<16xf32>,
      } {sc.loop_unroll_factor = 4 : i64, sc.parallel_access}
      %mul3A_391 = arith.constant 1024 : i32
      %mul3A_392 = arith.muli %min3A_366, %mul3A_391 : i32
      %multiple_of3A_393 = tpu.assume_multiple %mul3A_392, 1024 : i32
      %dma_start3A_394 = arith.constant 2 : i32
      %dma_start3A_395 = arith.constant 0 : i32
      %dma_start3A_396 = arith.constant 0 : i32
      %dma_start3A_397 = tpu.memref_slice %arg5[%dma_start3A_394, %dma_start3A_395, %dma_start3A_396] : memref<6x2x1024xf32, #tpu.memory_space<vmem>> -> memref<1x2x1024xf32, #tpu.memory_space<vmem>>
      %dma_start3A_398 = tpu.memref_squeeze %dma_start3A_397 : memref<1x2x1024xf32, #tpu.memory_space<vmem>> -> memref<2x1024xf32, #tpu.memory_space<vmem>>
      %dma_start3A_399 = arith.constant 0 : i32
      %dma_start3A_400 = tpu.memref_slice %arg3[%dma_start3A_399, %multiple_of3A_393] : memref<2x6400000xf32, #tpu.memory_space<hbm>> -> memref<2x1024xf32, #tpu.memory_space<hbm>>
      %dma_start3A_401 = arith.constant 0 : i32
      %dma_start3A_402 = tpu.memref_slice %arg3[%dma_start3A_401, %multiple_of3A_393] : memref<2x6400000xf32, #tpu.memory_space<hbm>> -> memref<2x1024xf32, #tpu.memory_space<hbm>>
      %dma_start3A_403 = arith.constant 0 : i32
      %dma_start3A_404 = arith.constant 0 : i32
      %dma_start3A_405 = tpu.memref_slice %arg5[%dma_start3A_394, %dma_start3A_403, %dma_start3A_404] : memref<6x2x1024xf32, #tpu.memory_space<vmem>> -> memref<1x2x1024xf32, #tpu.memory_space<vmem>>
      %dma_start3A_406 = tpu.memref_squeeze %dma_start3A_405 : memref<1x2x1024xf32, #tpu.memory_space<vmem>> -> memref<2x1024xf32, #tpu.memory_space<vmem>>
      tpu.enqueue_dma source(%dma_start3A_406 : memref<2x1024xf32, #tpu.memory_space<vmem>>) target(%dma_start3A_402 : memref<2x1024xf32, #tpu.memory_space<hbm>>) target_semaphore(%arg14 : memref<!tpu.dma_semaphore, #tpu.memory_space<semaphore_mem>>)
      %lt3A_407 = arith.constant 32 : i32
      %lt3A_408 = arith.cmpi slt, %scan3A_260, %lt3A_407 : i32
      %convert_element_type3A_409 = arith.extui %lt3A_408 : i1 to i32
      %cond3A_410 = arith.constant 0 : i32
      %cond3A_411 = arith.cmpi ne, %convert_element_type3A_409, %cond3A_410 : i32
      scf.if %cond3A_411 {
        %add3A_568 = arith.constant 1 : i32
        %add3A_569 = arith.addi %scan3A_260, %add3A_568 : i32
        %mul3A_570 = arith.constant 6 : i32
        %mul3A_571 = arith.muli %mul3A_570, %add3A_569 : i32
        %add3A_572 = arith.constant 2 : i32
        %add3A_573 = arith.addi %mul3A_571, %add3A_572 : i32
        %add3A_574 = arith.addi %select_n3A, %add3A_573 : i32
        %min3A_575 = arith.constant 6249 : i32
        %min3A_576 = arith.minsi %add3A_574, %min3A_575 : i32
        %mul3A_577 = arith.constant 1024 : i32
        %mul3A_578 = arith.muli %min3A_576, %mul3A_577 : i32
        %multiple_of3A_579 = tpu.assume_multiple %mul3A_578, 1024 : i32
        %dma_start3A_580 = arith.constant 2 : i32
        %dma_start3A_581 = arith.constant 0 : i32
        %dma_start3A_582 = arith.constant 0 : i32
        %dma_start3A_583 = tpu.memref_slice %arg4[%dma_start3A_580, %dma_start3A_581, %dma_start3A_582] : memref<6x5x1024xf32, #tpu.memory_space<vmem>> -> memref<1x5x1024xf32, #tpu.memory_space<vmem>>
        %dma_start3A_584 = tpu.memref_squeeze %dma_start3A_583 : memref<1x5x1024xf32, #tpu.memory_space<vmem>> -> memref<5x1024xf32, #tpu.memory_space<vmem>>
        %dma_start3A_585 = arith.constant 0 : i32
        %dma_start3A_586 = tpu.memref_slice %arg2[%dma_start3A_585, %multiple_of3A_579] : memref<5x6400000xf32, #tpu.memory_space<hbm>> -> memref<5x1024xf32, #tpu.memory_space<hbm>>
        %dma_start3A_587 = arith.constant 0 : i32
        %dma_start3A_588 = arith.constant 0 : i32
        %dma_start3A_589 = tpu.memref_slice %arg4[%dma_start3A_580, %dma_start3A_587, %dma_start3A_588] : memref<6x5x1024xf32, #tpu.memory_space<vmem>> -> memref<1x5x1024xf32, #tpu.memory_space<vmem>>
        %dma_start3A_590 = tpu.memref_squeeze %dma_start3A_589 : memref<1x5x1024xf32, #tpu.memory_space<vmem>> -> memref<5x1024xf32, #tpu.memory_space<vmem>>
        %dma_start3A_591 = arith.constant 0 : i32
        %dma_start3A_592 = tpu.memref_slice %arg2[%dma_start3A_591, %multiple_of3A_579] : memref<5x6400000xf32, #tpu.memory_space<hbm>> -> memref<5x1024xf32, #tpu.memory_space<hbm>>
        tpu.enqueue_dma source(%dma_start3A_592 : memref<5x1024xf32, #tpu.memory_space<hbm>>) target(%dma_start3A_590 : memref<5x1024xf32, #tpu.memory_space<vmem>>) target_semaphore(%arg8 : memref<!tpu.dma_semaphore, #tpu.memory_space<semaphore_mem>>)
      } else {
      }
      %mul3A_412 = arith.constant 6 : i32
      %mul3A_413 = arith.muli %mul3A_412, %scan3A_260 : i32
      %add3A_414 = arith.constant 3 : i32
      %add3A_415 = arith.addi %mul3A_413, %add3A_414 : i32
      %add3A_416 = arith.addi %select_n3A, %add3A_415 : i32
      %min3A_417 = arith.constant 6249 : i32
      %min3A_418 = arith.minsi %add3A_416, %min3A_417 : i32
      %mul3A_419 = arith.constant 1024 : i32
      %mul3A_420 = arith.muli %min3A_418, %mul3A_419 : i32
      %multiple_of3A_421 = tpu.assume_multiple %mul3A_420, 1024 : i32
      %dma_wait3A_422 = arith.constant 3 : i32
      %dma_wait3A_423 = arith.constant 0 : i32
      %dma_wait3A_424 = arith.constant 0 : i32
      %dma_wait3A_425 = tpu.memref_slice %arg4[%dma_wait3A_422, %dma_wait3A_423, %dma_wait3A_424] : memref<6x5x1024xf32, #tpu.memory_space<vmem>> -> memref<1x5x1024xf32, #tpu.memory_space<vmem>>
      %dma_wait3A_426 = tpu.memref_squeeze %dma_wait3A_425 : memref<1x5x1024xf32, #tpu.memory_space<vmem>> -> memref<5x1024xf32, #tpu.memory_space<vmem>>
      %dma_wait3A_427 = arith.constant 0 : i32
      %dma_wait3A_428 = tpu.memref_slice %arg2[%dma_wait3A_427, %multiple_of3A_421] : memref<5x6400000xf32, #tpu.memory_space<hbm>> -> memref<5x1024xf32, #tpu.memory_space<hbm>>
      %dma_wait3A_429 = arith.constant 0 : i32
      %dma_wait3A_430 = arith.constant 0 : i32
      %dma_wait3A_431 = tpu.memref_slice %arg4[%dma_wait3A_422, %dma_wait3A_429, %dma_wait3A_430] : memref<6x5x1024xf32, #tpu.memory_space<vmem>> -> memref<1x5x1024xf32, #tpu.memory_space<vmem>>
      %dma_wait3A_432 = tpu.memref_squeeze %dma_wait3A_431 : memref<1x5x1024xf32, #tpu.memory_space<vmem>> -> memref<5x1024xf32, #tpu.memory_space<vmem>>
      %dma_wait3A_433 = arith.constant 0 : i32
      %dma_wait3A_434 = tpu.memref_slice %arg2[%dma_wait3A_433, %multiple_of3A_421] : memref<5x6400000xf32, #tpu.memory_space<hbm>> -> memref<5x1024xf32, #tpu.memory_space<hbm>>
      tpu.wait_dma2 semaphore(%arg9 : memref<!tpu.dma_semaphore, #tpu.memory_space<semaphore_mem>>) src(%dma_wait3A_434 : memref<5x1024xf32, #tpu.memory_space<hbm>>) dst(%dma_wait3A_432 : memref<5x1024xf32, #tpu.memory_space<vmem>>)
      %ge3A_435 = arith.constant 1 : i32
      %ge3A_436 = arith.cmpi sge, %scan3A_260, %ge3A_435 : i32
      %convert_element_type3A_437 = arith.extui %ge3A_436 : i1 to i32
      %cond3A_438 = arith.constant 0 : i32
      %cond3A_439 = arith.cmpi ne, %convert_element_type3A_437, %cond3A_438 : i32
      scf.if %cond3A_439 {
        %mul3A_568 = arith.constant 1024 : i32
        %mul3A_569 = arith.muli %min3A_418, %mul3A_568 : i32
        %multiple_of3A_570 = tpu.assume_multiple %mul3A_569, 1024 : i32
        %dma_wait3A_571 = arith.constant 3 : i32
        %dma_wait3A_572 = arith.constant 0 : i32
        %dma_wait3A_573 = arith.constant 0 : i32
        %dma_wait3A_574 = tpu.memref_slice %arg5[%dma_wait3A_571, %dma_wait3A_572, %dma_wait3A_573] : memref<6x2x1024xf32, #tpu.memory_space<vmem>> -> memref<1x2x1024xf32, #tpu.memory_space<vmem>>
        %dma_wait3A_575 = tpu.memref_squeeze %dma_wait3A_574 : memref<1x2x1024xf32, #tpu.memory_space<vmem>> -> memref<2x1024xf32, #tpu.memory_space<vmem>>
        %dma_wait3A_576 = arith.constant 0 : i32
        %dma_wait3A_577 = tpu.memref_slice %arg3[%dma_wait3A_576, %multiple_of3A_570] : memref<2x6400000xf32, #tpu.memory_space<hbm>> -> memref<2x1024xf32, #tpu.memory_space<hbm>>
        %dma_wait3A_578 = arith.constant 0 : i32
        %dma_wait3A_579 = tpu.memref_slice %arg3[%dma_wait3A_578, %multiple_of3A_570] : memref<2x6400000xf32, #tpu.memory_space<hbm>> -> memref<2x1024xf32, #tpu.memory_space<hbm>>
        %dma_wait3A_580 = arith.constant 0 : i32
        %dma_wait3A_581 = arith.constant 0 : i32
        %dma_wait3A_582 = tpu.memref_slice %arg5[%dma_wait3A_571, %dma_wait3A_580, %dma_wait3A_581] : memref<6x2x1024xf32, #tpu.memory_space<vmem>> -> memref<1x2x1024xf32, #tpu.memory_space<vmem>>
        %dma_wait3A_583 = tpu.memref_squeeze %dma_wait3A_582 : memref<1x2x1024xf32, #tpu.memory_space<vmem>> -> memref<2x1024xf32, #tpu.memory_space<vmem>>
        tpu.wait_dma2 semaphore(%arg15 : memref<!tpu.dma_semaphore, #tpu.memory_space<semaphore_mem>>) src(%dma_wait3A_583 : memref<2x1024xf32, #tpu.memory_space<vmem>>) dst(%dma_wait3A_579 : memref<2x1024xf32, #tpu.memory_space<hbm>>)
      } else {
      }
      %parallel_loop3A_440 = arith.constant 0 : i32
      %parallel_loop3A_441 = arith.constant 64 : i32
      %parallel_loop3A_442 = arith.constant 1 : i32
      scf.for %parallel_loop3A_568 = %parallel_loop3A_440 to %parallel_loop3A_441 step %parallel_loop3A_442  : i32 {
        %parallel_loop3A_569 = arith.constant 16 : i32
        %parallel_loop3A_570 = arith.muli %parallel_loop3A_568, %parallel_loop3A_569 : i32
        %parallel_loop3A_571 = arith.constant 3 : i32
        %parallel_loop3A_572 = arith.constant 0 : i32
        %parallel_loop3A_573 = arith.index_cast %parallel_loop3A_571 : i32 to index
        %parallel_loop3A_574 = arith.index_cast %parallel_loop3A_572 : i32 to index
        %parallel_loop3A_575 = arith.index_cast %parallel_loop3A_570 : i32 to index
        %parallel_loop3A_576 = tpu.vector_load %arg4[%parallel_loop3A_573, %parallel_loop3A_574, %parallel_loop3A_575] {strides = array<i32>} : memref<6x5x1024xf32, #tpu.memory_space<vmem>>, vector<16xf32>,
        %parallel_loop3A_577 = arith.constant 3 : i32
        %parallel_loop3A_578 = arith.constant 1 : i32
        %parallel_loop3A_579 = arith.index_cast %parallel_loop3A_577 : i32 to index
        %parallel_loop3A_580 = arith.index_cast %parallel_loop3A_578 : i32 to index
        %parallel_loop3A_581 = arith.index_cast %parallel_loop3A_570 : i32 to index
        %parallel_loop3A_582 = tpu.vector_load %arg4[%parallel_loop3A_579, %parallel_loop3A_580, %parallel_loop3A_581] {strides = array<i32>} : memref<6x5x1024xf32, #tpu.memory_space<vmem>>, vector<16xf32>,
        %parallel_loop3A_583 = arith.constant 3 : i32
        %parallel_loop3A_584 = arith.constant 2 : i32
        %parallel_loop3A_585 = arith.index_cast %parallel_loop3A_583 : i32 to index
        %parallel_loop3A_586 = arith.index_cast %parallel_loop3A_584 : i32 to index
        %parallel_loop3A_587 = arith.index_cast %parallel_loop3A_570 : i32 to index
        %parallel_loop3A_588 = tpu.vector_load %arg4[%parallel_loop3A_585, %parallel_loop3A_586, %parallel_loop3A_587] {strides = array<i32>} : memref<6x5x1024xf32, #tpu.memory_space<vmem>>, vector<16xf32>,
        %parallel_loop3A_589 = arith.constant 3 : i32
        %parallel_loop3A_590 = arith.constant 3 : i32
        %parallel_loop3A_591 = arith.index_cast %parallel_loop3A_589 : i32 to index
        %parallel_loop3A_592 = arith.index_cast %parallel_loop3A_590 : i32 to index
        %parallel_loop3A_593 = arith.index_cast %parallel_loop3A_570 : i32 to index
        %parallel_loop3A_594 = tpu.vector_load %arg4[%parallel_loop3A_591, %parallel_loop3A_592, %parallel_loop3A_593] {strides = array<i32>} : memref<6x5x1024xf32, #tpu.memory_space<vmem>>, vector<16xf32>,
        %parallel_loop3A_595 = arith.constant 3 : i32
        %parallel_loop3A_596 = arith.constant 4 : i32
        %parallel_loop3A_597 = arith.index_cast %parallel_loop3A_595 : i32 to index
        %parallel_loop3A_598 = arith.index_cast %parallel_loop3A_596 : i32 to index
        %parallel_loop3A_599 = arith.index_cast %parallel_loop3A_570 : i32 to index
        %parallel_loop3A_600 = tpu.vector_load %arg4[%parallel_loop3A_597, %parallel_loop3A_598, %parallel_loop3A_599] {strides = array<i32>} : memref<6x5x1024xf32, #tpu.memory_space<vmem>>, vector<16xf32>,
        %parallel_loop3A_601 = arith.mulf %parallel_loop3A_576, %parallel_loop3A_582 : vector<16xf32>
        %parallel_loop3A_602 = arith.mulf %parallel_loop3A_601, %parallel_loop3A_588 : vector<16xf32>
        %parallel_loop3A_603 = arith.constant 3 : i32
        %parallel_loop3A_604 = arith.constant 0 : i32
        %parallel_loop3A_605 = arith.index_cast %parallel_loop3A_603 : i32 to index
        %parallel_loop3A_606 = arith.index_cast %parallel_loop3A_604 : i32 to index
        %parallel_loop3A_607 = arith.index_cast %parallel_loop3A_570 : i32 to index
        %parallel_loop3A_608 = tpu.vector_load %arg5[%parallel_loop3A_605, %parallel_loop3A_606, %parallel_loop3A_607] {strides = array<i32>} : memref<6x2x1024xf32, #tpu.memory_space<vmem>>, vector<16xf32>,
        tpu.vector_store %arg5[%parallel_loop3A_605, %parallel_loop3A_606, %parallel_loop3A_607], %parallel_loop3A_602 {strides = array<i32>} : memref<6x2x1024xf32, #tpu.memory_space<vmem>>, vector<16xf32>,
        %parallel_loop3A_609 = arith.mulf %parallel_loop3A_594, %parallel_loop3A_600 : vector<16xf32>
        %parallel_loop3A_610 = arith.constant 3 : i32
        %parallel_loop3A_611 = arith.constant 1 : i32
        %parallel_loop3A_612 = arith.index_cast %parallel_loop3A_610 : i32 to index
        %parallel_loop3A_613 = arith.index_cast %parallel_loop3A_611 : i32 to index
        %parallel_loop3A_614 = arith.index_cast %parallel_loop3A_570 : i32 to index
        %parallel_loop3A_615 = tpu.vector_load %arg5[%parallel_loop3A_612, %parallel_loop3A_613, %parallel_loop3A_614] {strides = array<i32>} : memref<6x2x1024xf32, #tpu.memory_space<vmem>>, vector<16xf32>,
        tpu.vector_store %arg5[%parallel_loop3A_612, %parallel_loop3A_613, %parallel_loop3A_614], %parallel_loop3A_609 {strides = array<i32>} : memref<6x2x1024xf32, #tpu.memory_space<vmem>>, vector<16xf32>,
      } {sc.loop_unroll_factor = 4 : i64, sc.parallel_access}
      %mul3A_443 = arith.constant 1024 : i32
      %mul3A_444 = arith.muli %min3A_418, %mul3A_443 : i32
      %multiple_of3A_445 = tpu.assume_multiple %mul3A_444, 1024 : i32
      %dma_start3A_446 = arith.constant 3 : i32
      %dma_start3A_447 = arith.constant 0 : i32
      %dma_start3A_448 = arith.constant 0 : i32
      %dma_start3A_449 = tpu.memref_slice %arg5[%dma_start3A_446, %dma_start3A_447, %dma_start3A_448] : memref<6x2x1024xf32, #tpu.memory_space<vmem>> -> memref<1x2x1024xf32, #tpu.memory_space<vmem>>
      %dma_start3A_450 = tpu.memref_squeeze %dma_start3A_449 : memref<1x2x1024xf32, #tpu.memory_space<vmem>> -> memref<2x1024xf32, #tpu.memory_space<vmem>>
      %dma_start3A_451 = arith.constant 0 : i32
      %dma_start3A_452 = tpu.memref_slice %arg3[%dma_start3A_451, %multiple_of3A_445] : memref<2x6400000xf32, #tpu.memory_space<hbm>> -> memref<2x1024xf32, #tpu.memory_space<hbm>>
      %dma_start3A_453 = arith.constant 0 : i32
      %dma_start3A_454 = tpu.memref_slice %arg3[%dma_start3A_453, %multiple_of3A_445] : memref<2x6400000xf32, #tpu.memory_space<hbm>> -> memref<2x1024xf32, #tpu.memory_space<hbm>>
      %dma_start3A_455 = arith.constant 0 : i32
      %dma_start3A_456 = arith.constant 0 : i32
      %dma_start3A_457 = tpu.memref_slice %arg5[%dma_start3A_446, %dma_start3A_455, %dma_start3A_456] : memref<6x2x1024xf32, #tpu.memory_space<vmem>> -> memref<1x2x1024xf32, #tpu.memory_space<vmem>>
      %dma_start3A_458 = tpu.memref_squeeze %dma_start3A_457 : memref<1x2x1024xf32, #tpu.memory_space<vmem>> -> memref<2x1024xf32, #tpu.memory_space<vmem>>
      tpu.enqueue_dma source(%dma_start3A_458 : memref<2x1024xf32, #tpu.memory_space<vmem>>) target(%dma_start3A_454 : memref<2x1024xf32, #tpu.memory_space<hbm>>) target_semaphore(%arg15 : memref<!tpu.dma_semaphore, #tpu.memory_space<semaphore_mem>>)
      %lt3A_459 = arith.constant 32 : i32
      %lt3A_460 = arith.cmpi slt, %scan3A_260, %lt3A_459 : i32
      %convert_element_type3A_461 = arith.extui %lt3A_460 : i1 to i32
      %cond3A_462 = arith.constant 0 : i32
      %cond3A_463 = arith.cmpi ne, %convert_element_type3A_461, %cond3A_462 : i32
      scf.if %cond3A_463 {
        %add3A_568 = arith.constant 1 : i32
        %add3A_569 = arith.addi %scan3A_260, %add3A_568 : i32
        %mul3A_570 = arith.constant 6 : i32
        %mul3A_571 = arith.muli %mul3A_570, %add3A_569 : i32
        %add3A_572 = arith.constant 3 : i32
        %add3A_573 = arith.addi %mul3A_571, %add3A_572 : i32
        %add3A_574 = arith.addi %select_n3A, %add3A_573 : i32
        %min3A_575 = arith.constant 6249 : i32
        %min3A_576 = arith.minsi %add3A_574, %min3A_575 : i32
        %mul3A_577 = arith.constant 1024 : i32
        %mul3A_578 = arith.muli %min3A_576, %mul3A_577 : i32
        %multiple_of3A_579 = tpu.assume_multiple %mul3A_578, 1024 : i32
        %dma_start3A_580 = arith.constant 3 : i32
        %dma_start3A_581 = arith.constant 0 : i32
        %dma_start3A_582 = arith.constant 0 : i32
        %dma_start3A_583 = tpu.memref_slice %arg4[%dma_start3A_580, %dma_start3A_581, %dma_start3A_582] : memref<6x5x1024xf32, #tpu.memory_space<vmem>> -> memref<1x5x1024xf32, #tpu.memory_space<vmem>>
        %dma_start3A_584 = tpu.memref_squeeze %dma_start3A_583 : memref<1x5x1024xf32, #tpu.memory_space<vmem>> -> memref<5x1024xf32, #tpu.memory_space<vmem>>
        %dma_start3A_585 = arith.constant 0 : i32
        %dma_start3A_586 = tpu.memref_slice %arg2[%dma_start3A_585, %multiple_of3A_579] : memref<5x6400000xf32, #tpu.memory_space<hbm>> -> memref<5x1024xf32, #tpu.memory_space<hbm>>
        %dma_start3A_587 = arith.constant 0 : i32
        %dma_start3A_588 = arith.constant 0 : i32
        %dma_start3A_589 = tpu.memref_slice %arg4[%dma_start3A_580, %dma_start3A_587, %dma_start3A_588] : memref<6x5x1024xf32, #tpu.memory_space<vmem>> -> memref<1x5x1024xf32, #tpu.memory_space<vmem>>
        %dma_start3A_590 = tpu.memref_squeeze %dma_start3A_589 : memref<1x5x1024xf32, #tpu.memory_space<vmem>> -> memref<5x1024xf32, #tpu.memory_space<vmem>>
        %dma_start3A_591 = arith.constant 0 : i32
        %dma_start3A_592 = tpu.memref_slice %arg2[%dma_start3A_591, %multiple_of3A_579] : memref<5x6400000xf32, #tpu.memory_space<hbm>> -> memref<5x1024xf32, #tpu.memory_space<hbm>>
        tpu.enqueue_dma source(%dma_start3A_592 : memref<5x1024xf32, #tpu.memory_space<hbm>>) target(%dma_start3A_590 : memref<5x1024xf32, #tpu.memory_space<vmem>>) target_semaphore(%arg9 : memref<!tpu.dma_semaphore, #tpu.memory_space<semaphore_mem>>)
      } else {
      }
      %mul3A_464 = arith.constant 6 : i32
      %mul3A_465 = arith.muli %mul3A_464, %scan3A_260 : i32
      %add3A_466 = arith.constant 4 : i32
      %add3A_467 = arith.addi %mul3A_465, %add3A_466 : i32
      %add3A_468 = arith.addi %select_n3A, %add3A_467 : i32
      %min3A_469 = arith.constant 6249 : i32
      %min3A_470 = arith.minsi %add3A_468, %min3A_469 : i32
      %mul3A_471 = arith.constant 1024 : i32
      %mul3A_472 = arith.muli %min3A_470, %mul3A_471 : i32
      %multiple_of3A_473 = tpu.assume_multiple %mul3A_472, 1024 : i32
      %dma_wait3A_474 = arith.constant 4 : i32
      %dma_wait3A_475 = arith.constant 0 : i32
      %dma_wait3A_476 = arith.constant 0 : i32
      %dma_wait3A_477 = tpu.memref_slice %arg4[%dma_wait3A_474, %dma_wait3A_475, %dma_wait3A_476] : memref<6x5x1024xf32, #tpu.memory_space<vmem>> -> memref<1x5x1024xf32, #tpu.memory_space<vmem>>
      %dma_wait3A_478 = tpu.memref_squeeze %dma_wait3A_477 : memref<1x5x1024xf32, #tpu.memory_space<vmem>> -> memref<5x1024xf32, #tpu.memory_space<vmem>>
      %dma_wait3A_479 = arith.constant 0 : i32
      %dma_wait3A_480 = tpu.memref_slice %arg2[%dma_wait3A_479, %multiple_of3A_473] : memref<5x6400000xf32, #tpu.memory_space<hbm>> -> memref<5x1024xf32, #tpu.memory_space<hbm>>
      %dma_wait3A_481 = arith.constant 0 : i32
      %dma_wait3A_482 = arith.constant 0 : i32
      %dma_wait3A_483 = tpu.memref_slice %arg4[%dma_wait3A_474, %dma_wait3A_481, %dma_wait3A_482] : memref<6x5x1024xf32, #tpu.memory_space<vmem>> -> memref<1x5x1024xf32, #tpu.memory_space<vmem>>
      %dma_wait3A_484 = tpu.memref_squeeze %dma_wait3A_483 : memref<1x5x1024xf32, #tpu.memory_space<vmem>> -> memref<5x1024xf32, #tpu.memory_space<vmem>>
      %dma_wait3A_485 = arith.constant 0 : i32
      %dma_wait3A_486 = tpu.memref_slice %arg2[%dma_wait3A_485, %multiple_of3A_473] : memref<5x6400000xf32, #tpu.memory_space<hbm>> -> memref<5x1024xf32, #tpu.memory_space<hbm>>
      tpu.wait_dma2 semaphore(%arg10 : memref<!tpu.dma_semaphore, #tpu.memory_space<semaphore_mem>>) src(%dma_wait3A_486 : memref<5x1024xf32, #tpu.memory_space<hbm>>) dst(%dma_wait3A_484 : memref<5x1024xf32, #tpu.memory_space<vmem>>)
      %ge3A_487 = arith.constant 1 : i32
      %ge3A_488 = arith.cmpi sge, %scan3A_260, %ge3A_487 : i32
      %convert_element_type3A_489 = arith.extui %ge3A_488 : i1 to i32
      %cond3A_490 = arith.constant 0 : i32
      %cond3A_491 = arith.cmpi ne, %convert_element_type3A_489, %cond3A_490 : i32
      scf.if %cond3A_491 {
        %mul3A_568 = arith.constant 1024 : i32
        %mul3A_569 = arith.muli %min3A_470, %mul3A_568 : i32
        %multiple_of3A_570 = tpu.assume_multiple %mul3A_569, 1024 : i32
        %dma_wait3A_571 = arith.constant 4 : i32
        %dma_wait3A_572 = arith.constant 0 : i32
        %dma_wait3A_573 = arith.constant 0 : i32
        %dma_wait3A_574 = tpu.memref_slice %arg5[%dma_wait3A_571, %dma_wait3A_572, %dma_wait3A_573] : memref<6x2x1024xf32, #tpu.memory_space<vmem>> -> memref<1x2x1024xf32, #tpu.memory_space<vmem>>
        %dma_wait3A_575 = tpu.memref_squeeze %dma_wait3A_574 : memref<1x2x1024xf32, #tpu.memory_space<vmem>> -> memref<2x1024xf32, #tpu.memory_space<vmem>>
        %dma_wait3A_576 = arith.constant 0 : i32
        %dma_wait3A_577 = tpu.memref_slice %arg3[%dma_wait3A_576, %multiple_of3A_570] : memref<2x6400000xf32, #tpu.memory_space<hbm>> -> memref<2x1024xf32, #tpu.memory_space<hbm>>
        %dma_wait3A_578 = arith.constant 0 : i32
        %dma_wait3A_579 = tpu.memref_slice %arg3[%dma_wait3A_578, %multiple_of3A_570] : memref<2x6400000xf32, #tpu.memory_space<hbm>> -> memref<2x1024xf32, #tpu.memory_space<hbm>>
        %dma_wait3A_580 = arith.constant 0 : i32
        %dma_wait3A_581 = arith.constant 0 : i32
        %dma_wait3A_582 = tpu.memref_slice %arg5[%dma_wait3A_571, %dma_wait3A_580, %dma_wait3A_581] : memref<6x2x1024xf32, #tpu.memory_space<vmem>> -> memref<1x2x1024xf32, #tpu.memory_space<vmem>>
        %dma_wait3A_583 = tpu.memref_squeeze %dma_wait3A_582 : memref<1x2x1024xf32, #tpu.memory_space<vmem>> -> memref<2x1024xf32, #tpu.memory_space<vmem>>
        tpu.wait_dma2 semaphore(%arg16 : memref<!tpu.dma_semaphore, #tpu.memory_space<semaphore_mem>>) src(%dma_wait3A_583 : memref<2x1024xf32, #tpu.memory_space<vmem>>) dst(%dma_wait3A_579 : memref<2x1024xf32, #tpu.memory_space<hbm>>)
      } else {
      }
      %parallel_loop3A_492 = arith.constant 0 : i32
      %parallel_loop3A_493 = arith.constant 64 : i32
      %parallel_loop3A_494 = arith.constant 1 : i32
      scf.for %parallel_loop3A_568 = %parallel_loop3A_492 to %parallel_loop3A_493 step %parallel_loop3A_494  : i32 {
        %parallel_loop3A_569 = arith.constant 16 : i32
        %parallel_loop3A_570 = arith.muli %parallel_loop3A_568, %parallel_loop3A_569 : i32
        %parallel_loop3A_571 = arith.constant 4 : i32
        %parallel_loop3A_572 = arith.constant 0 : i32
        %parallel_loop3A_573 = arith.index_cast %parallel_loop3A_571 : i32 to index
        %parallel_loop3A_574 = arith.index_cast %parallel_loop3A_572 : i32 to index
        %parallel_loop3A_575 = arith.index_cast %parallel_loop3A_570 : i32 to index
        %parallel_loop3A_576 = tpu.vector_load %arg4[%parallel_loop3A_573, %parallel_loop3A_574, %parallel_loop3A_575] {strides = array<i32>} : memref<6x5x1024xf32, #tpu.memory_space<vmem>>, vector<16xf32>,
        %parallel_loop3A_577 = arith.constant 4 : i32
        %parallel_loop3A_578 = arith.constant 1 : i32
        %parallel_loop3A_579 = arith.index_cast %parallel_loop3A_577 : i32 to index
        %parallel_loop3A_580 = arith.index_cast %parallel_loop3A_578 : i32 to index
        %parallel_loop3A_581 = arith.index_cast %parallel_loop3A_570 : i32 to index
        %parallel_loop3A_582 = tpu.vector_load %arg4[%parallel_loop3A_579, %parallel_loop3A_580, %parallel_loop3A_581] {strides = array<i32>} : memref<6x5x1024xf32, #tpu.memory_space<vmem>>, vector<16xf32>,
        %parallel_loop3A_583 = arith.constant 4 : i32
        %parallel_loop3A_584 = arith.constant 2 : i32
        %parallel_loop3A_585 = arith.index_cast %parallel_loop3A_583 : i32 to index
        %parallel_loop3A_586 = arith.index_cast %parallel_loop3A_584 : i32 to index
        %parallel_loop3A_587 = arith.index_cast %parallel_loop3A_570 : i32 to index
        %parallel_loop3A_588 = tpu.vector_load %arg4[%parallel_loop3A_585, %parallel_loop3A_586, %parallel_loop3A_587] {strides = array<i32>} : memref<6x5x1024xf32, #tpu.memory_space<vmem>>, vector<16xf32>,
        %parallel_loop3A_589 = arith.constant 4 : i32
        %parallel_loop3A_590 = arith.constant 3 : i32
        %parallel_loop3A_591 = arith.index_cast %parallel_loop3A_589 : i32 to index
        %parallel_loop3A_592 = arith.index_cast %parallel_loop3A_590 : i32 to index
        %parallel_loop3A_593 = arith.index_cast %parallel_loop3A_570 : i32 to index
        %parallel_loop3A_594 = tpu.vector_load %arg4[%parallel_loop3A_591, %parallel_loop3A_592, %parallel_loop3A_593] {strides = array<i32>} : memref<6x5x1024xf32, #tpu.memory_space<vmem>>, vector<16xf32>,
        %parallel_loop3A_595 = arith.constant 4 : i32
        %parallel_loop3A_596 = arith.constant 4 : i32
        %parallel_loop3A_597 = arith.index_cast %parallel_loop3A_595 : i32 to index
        %parallel_loop3A_598 = arith.index_cast %parallel_loop3A_596 : i32 to index
        %parallel_loop3A_599 = arith.index_cast %parallel_loop3A_570 : i32 to index
        %parallel_loop3A_600 = tpu.vector_load %arg4[%parallel_loop3A_597, %parallel_loop3A_598, %parallel_loop3A_599] {strides = array<i32>} : memref<6x5x1024xf32, #tpu.memory_space<vmem>>, vector<16xf32>,
        %parallel_loop3A_601 = arith.mulf %parallel_loop3A_576, %parallel_loop3A_582 : vector<16xf32>
        %parallel_loop3A_602 = arith.mulf %parallel_loop3A_601, %parallel_loop3A_588 : vector<16xf32>
        %parallel_loop3A_603 = arith.constant 4 : i32
        %parallel_loop3A_604 = arith.constant 0 : i32
        %parallel_loop3A_605 = arith.index_cast %parallel_loop3A_603 : i32 to index
        %parallel_loop3A_606 = arith.index_cast %parallel_loop3A_604 : i32 to index
        %parallel_loop3A_607 = arith.index_cast %parallel_loop3A_570 : i32 to index
        %parallel_loop3A_608 = tpu.vector_load %arg5[%parallel_loop3A_605, %parallel_loop3A_606, %parallel_loop3A_607] {strides = array<i32>} : memref<6x2x1024xf32, #tpu.memory_space<vmem>>, vector<16xf32>,
        tpu.vector_store %arg5[%parallel_loop3A_605, %parallel_loop3A_606, %parallel_loop3A_607], %parallel_loop3A_602 {strides = array<i32>} : memref<6x2x1024xf32, #tpu.memory_space<vmem>>, vector<16xf32>,
        %parallel_loop3A_609 = arith.mulf %parallel_loop3A_594, %parallel_loop3A_600 : vector<16xf32>
        %parallel_loop3A_610 = arith.constant 4 : i32
        %parallel_loop3A_611 = arith.constant 1 : i32
        %parallel_loop3A_612 = arith.index_cast %parallel_loop3A_610 : i32 to index
        %parallel_loop3A_613 = arith.index_cast %parallel_loop3A_611 : i32 to index
        %parallel_loop3A_614 = arith.index_cast %parallel_loop3A_570 : i32 to index
        %parallel_loop3A_615 = tpu.vector_load %arg5[%parallel_loop3A_612, %parallel_loop3A_613, %parallel_loop3A_614] {strides = array<i32>} : memref<6x2x1024xf32, #tpu.memory_space<vmem>>, vector<16xf32>,
        tpu.vector_store %arg5[%parallel_loop3A_612, %parallel_loop3A_613, %parallel_loop3A_614], %parallel_loop3A_609 {strides = array<i32>} : memref<6x2x1024xf32, #tpu.memory_space<vmem>>, vector<16xf32>,
      } {sc.loop_unroll_factor = 4 : i64, sc.parallel_access}
      %mul3A_495 = arith.constant 1024 : i32
      %mul3A_496 = arith.muli %min3A_470, %mul3A_495 : i32
      %multiple_of3A_497 = tpu.assume_multiple %mul3A_496, 1024 : i32
      %dma_start3A_498 = arith.constant 4 : i32
      %dma_start3A_499 = arith.constant 0 : i32
      %dma_start3A_500 = arith.constant 0 : i32
      %dma_start3A_501 = tpu.memref_slice %arg5[%dma_start3A_498, %dma_start3A_499, %dma_start3A_500] : memref<6x2x1024xf32, #tpu.memory_space<vmem>> -> memref<1x2x1024xf32, #tpu.memory_space<vmem>>
      %dma_start3A_502 = tpu.memref_squeeze %dma_start3A_501 : memref<1x2x1024xf32, #tpu.memory_space<vmem>> -> memref<2x1024xf32, #tpu.memory_space<vmem>>
      %dma_start3A_503 = arith.constant 0 : i32
      %dma_start3A_504 = tpu.memref_slice %arg3[%dma_start3A_503, %multiple_of3A_497] : memref<2x6400000xf32, #tpu.memory_space<hbm>> -> memref<2x1024xf32, #tpu.memory_space<hbm>>
      %dma_start3A_505 = arith.constant 0 : i32
      %dma_start3A_506 = tpu.memref_slice %arg3[%dma_start3A_505, %multiple_of3A_497] : memref<2x6400000xf32, #tpu.memory_space<hbm>> -> memref<2x1024xf32, #tpu.memory_space<hbm>>
      %dma_start3A_507 = arith.constant 0 : i32
      %dma_start3A_508 = arith.constant 0 : i32
      %dma_start3A_509 = tpu.memref_slice %arg5[%dma_start3A_498, %dma_start3A_507, %dma_start3A_508] : memref<6x2x1024xf32, #tpu.memory_space<vmem>> -> memref<1x2x1024xf32, #tpu.memory_space<vmem>>
      %dma_start3A_510 = tpu.memref_squeeze %dma_start3A_509 : memref<1x2x1024xf32, #tpu.memory_space<vmem>> -> memref<2x1024xf32, #tpu.memory_space<vmem>>
      tpu.enqueue_dma source(%dma_start3A_510 : memref<2x1024xf32, #tpu.memory_space<vmem>>) target(%dma_start3A_506 : memref<2x1024xf32, #tpu.memory_space<hbm>>) target_semaphore(%arg16 : memref<!tpu.dma_semaphore, #tpu.memory_space<semaphore_mem>>)
      %lt3A_511 = arith.constant 32 : i32
      %lt3A_512 = arith.cmpi slt, %scan3A_260, %lt3A_511 : i32
      %convert_element_type3A_513 = arith.extui %lt3A_512 : i1 to i32
      %cond3A_514 = arith.constant 0 : i32
      %cond3A_515 = arith.cmpi ne, %convert_element_type3A_513, %cond3A_514 : i32
      scf.if %cond3A_515 {
        %add3A_568 = arith.constant 1 : i32
        %add3A_569 = arith.addi %scan3A_260, %add3A_568 : i32
        %mul3A_570 = arith.constant 6 : i32
        %mul3A_571 = arith.muli %mul3A_570, %add3A_569 : i32
        %add3A_572 = arith.constant 4 : i32
        %add3A_573 = arith.addi %mul3A_571, %add3A_572 : i32
        %add3A_574 = arith.addi %select_n3A, %add3A_573 : i32
        %min3A_575 = arith.constant 6249 : i32
        %min3A_576 = arith.minsi %add3A_574, %min3A_575 : i32
        %mul3A_577 = arith.constant 1024 : i32
        %mul3A_578 = arith.muli %min3A_576, %mul3A_577 : i32
        %multiple_of3A_579 = tpu.assume_multiple %mul3A_578, 1024 : i32
        %dma_start3A_580 = arith.constant 4 : i32
        %dma_start3A_581 = arith.constant 0 : i32
        %dma_start3A_582 = arith.constant 0 : i32
        %dma_start3A_583 = tpu.memref_slice %arg4[%dma_start3A_580, %dma_start3A_581, %dma_start3A_582] : memref<6x5x1024xf32, #tpu.memory_space<vmem>> -> memref<1x5x1024xf32, #tpu.memory_space<vmem>>
        %dma_start3A_584 = tpu.memref_squeeze %dma_start3A_583 : memref<1x5x1024xf32, #tpu.memory_space<vmem>> -> memref<5x1024xf32, #tpu.memory_space<vmem>>
        %dma_start3A_585 = arith.constant 0 : i32
        %dma_start3A_586 = tpu.memref_slice %arg2[%dma_start3A_585, %multiple_of3A_579] : memref<5x6400000xf32, #tpu.memory_space<hbm>> -> memref<5x1024xf32, #tpu.memory_space<hbm>>
        %dma_start3A_587 = arith.constant 0 : i32
        %dma_start3A_588 = arith.constant 0 : i32
        %dma_start3A_589 = tpu.memref_slice %arg4[%dma_start3A_580, %dma_start3A_587, %dma_start3A_588] : memref<6x5x1024xf32, #tpu.memory_space<vmem>> -> memref<1x5x1024xf32, #tpu.memory_space<vmem>>
        %dma_start3A_590 = tpu.memref_squeeze %dma_start3A_589 : memref<1x5x1024xf32, #tpu.memory_space<vmem>> -> memref<5x1024xf32, #tpu.memory_space<vmem>>
        %dma_start3A_591 = arith.constant 0 : i32
        %dma_start3A_592 = tpu.memref_slice %arg2[%dma_start3A_591, %multiple_of3A_579] : memref<5x6400000xf32, #tpu.memory_space<hbm>> -> memref<5x1024xf32, #tpu.memory_space<hbm>>
        tpu.enqueue_dma source(%dma_start3A_592 : memref<5x1024xf32, #tpu.memory_space<hbm>>) target(%dma_start3A_590 : memref<5x1024xf32, #tpu.memory_space<vmem>>) target_semaphore(%arg10 : memref<!tpu.dma_semaphore, #tpu.memory_space<semaphore_mem>>)
      } else {
      }
      %mul3A_516 = arith.constant 6 : i32
      %mul3A_517 = arith.muli %mul3A_516, %scan3A_260 : i32
      %add3A_518 = arith.constant 5 : i32
      %add3A_519 = arith.addi %mul3A_517, %add3A_518 : i32
      %add3A_520 = arith.addi %select_n3A, %add3A_519 : i32
      %min3A_521 = arith.constant 6249 : i32
      %min3A_522 = arith.minsi %add3A_520, %min3A_521 : i32
      %mul3A_523 = arith.constant 1024 : i32
      %mul3A_524 = arith.muli %min3A_522, %mul3A_523 : i32
      %multiple_of3A_525 = tpu.assume_multiple %mul3A_524, 1024 : i32
      %dma_wait3A_526 = arith.constant 5 : i32
      %dma_wait3A_527 = arith.constant 0 : i32
      %dma_wait3A_528 = arith.constant 0 : i32
      %dma_wait3A_529 = tpu.memref_slice %arg4[%dma_wait3A_526, %dma_wait3A_527, %dma_wait3A_528] : memref<6x5x1024xf32, #tpu.memory_space<vmem>> -> memref<1x5x1024xf32, #tpu.memory_space<vmem>>
      %dma_wait3A_530 = tpu.memref_squeeze %dma_wait3A_529 : memref<1x5x1024xf32, #tpu.memory_space<vmem>> -> memref<5x1024xf32, #tpu.memory_space<vmem>>
      %dma_wait3A_531 = arith.constant 0 : i32
      %dma_wait3A_532 = tpu.memref_slice %arg2[%dma_wait3A_531, %multiple_of3A_525] : memref<5x6400000xf32, #tpu.memory_space<hbm>> -> memref<5x1024xf32, #tpu.memory_space<hbm>>
      %dma_wait3A_533 = arith.constant 0 : i32
      %dma_wait3A_534 = arith.constant 0 : i32
      %dma_wait3A_535 = tpu.memref_slice %arg4[%dma_wait3A_526, %dma_wait3A_533, %dma_wait3A_534] : memref<6x5x1024xf32, #tpu.memory_space<vmem>> -> memref<1x5x1024xf32, #tpu.memory_space<vmem>>
      %dma_wait3A_536 = tpu.memref_squeeze %dma_wait3A_535 : memref<1x5x1024xf32, #tpu.memory_space<vmem>> -> memref<5x1024xf32, #tpu.memory_space<vmem>>
      %dma_wait3A_537 = arith.constant 0 : i32
      %dma_wait3A_538 = tpu.memref_slice %arg2[%dma_wait3A_537, %multiple_of3A_525] : memref<5x6400000xf32, #tpu.memory_space<hbm>> -> memref<5x1024xf32, #tpu.memory_space<hbm>>
      tpu.wait_dma2 semaphore(%arg11 : memref<!tpu.dma_semaphore, #tpu.memory_space<semaphore_mem>>) src(%dma_wait3A_538 : memref<5x1024xf32, #tpu.memory_space<hbm>>) dst(%dma_wait3A_536 : memref<5x1024xf32, #tpu.memory_space<vmem>>)
      %ge3A_539 = arith.constant 1 : i32
      %ge3A_540 = arith.cmpi sge, %scan3A_260, %ge3A_539 : i32
      %convert_element_type3A_541 = arith.extui %ge3A_540 : i1 to i32
      %cond3A_542 = arith.constant 0 : i32
      %cond3A_543 = arith.cmpi ne, %convert_element_type3A_541, %cond3A_542 : i32
      scf.if %cond3A_543 {
        %mul3A_568 = arith.constant 1024 : i32
        %mul3A_569 = arith.muli %min3A_522, %mul3A_568 : i32
        %multiple_of3A_570 = tpu.assume_multiple %mul3A_569, 1024 : i32
        %dma_wait3A_571 = arith.constant 5 : i32
        %dma_wait3A_572 = arith.constant 0 : i32
        %dma_wait3A_573 = arith.constant 0 : i32
        %dma_wait3A_574 = tpu.memref_slice %arg5[%dma_wait3A_571, %dma_wait3A_572, %dma_wait3A_573] : memref<6x2x1024xf32, #tpu.memory_space<vmem>> -> memref<1x2x1024xf32, #tpu.memory_space<vmem>>
        %dma_wait3A_575 = tpu.memref_squeeze %dma_wait3A_574 : memref<1x2x1024xf32, #tpu.memory_space<vmem>> -> memref<2x1024xf32, #tpu.memory_space<vmem>>
        %dma_wait3A_576 = arith.constant 0 : i32
        %dma_wait3A_577 = tpu.memref_slice %arg3[%dma_wait3A_576, %multiple_of3A_570] : memref<2x6400000xf32, #tpu.memory_space<hbm>> -> memref<2x1024xf32, #tpu.memory_space<hbm>>
        %dma_wait3A_578 = arith.constant 0 : i32
        %dma_wait3A_579 = tpu.memref_slice %arg3[%dma_wait3A_578, %multiple_of3A_570] : memref<2x6400000xf32, #tpu.memory_space<hbm>> -> memref<2x1024xf32, #tpu.memory_space<hbm>>
        %dma_wait3A_580 = arith.constant 0 : i32
        %dma_wait3A_581 = arith.constant 0 : i32
        %dma_wait3A_582 = tpu.memref_slice %arg5[%dma_wait3A_571, %dma_wait3A_580, %dma_wait3A_581] : memref<6x2x1024xf32, #tpu.memory_space<vmem>> -> memref<1x2x1024xf32, #tpu.memory_space<vmem>>
        %dma_wait3A_583 = tpu.memref_squeeze %dma_wait3A_582 : memref<1x2x1024xf32, #tpu.memory_space<vmem>> -> memref<2x1024xf32, #tpu.memory_space<vmem>>
        tpu.wait_dma2 semaphore(%arg17 : memref<!tpu.dma_semaphore, #tpu.memory_space<semaphore_mem>>) src(%dma_wait3A_583 : memref<2x1024xf32, #tpu.memory_space<vmem>>) dst(%dma_wait3A_579 : memref<2x1024xf32, #tpu.memory_space<hbm>>)
      } else {
      }
      %parallel_loop3A_544 = arith.constant 0 : i32
      %parallel_loop3A_545 = arith.constant 64 : i32
      %parallel_loop3A_546 = arith.constant 1 : i32
      scf.for %parallel_loop3A_568 = %parallel_loop3A_544 to %parallel_loop3A_545 step %parallel_loop3A_546  : i32 {
        %parallel_loop3A_569 = arith.constant 16 : i32
        %parallel_loop3A_570 = arith.muli %parallel_loop3A_568, %parallel_loop3A_569 : i32
        %parallel_loop3A_571 = arith.constant 5 : i32
        %parallel_loop3A_572 = arith.constant 0 : i32
        %parallel_loop3A_573 = arith.index_cast %parallel_loop3A_571 : i32 to index
        %parallel_loop3A_574 = arith.index_cast %parallel_loop3A_572 : i32 to index
        %parallel_loop3A_575 = arith.index_cast %parallel_loop3A_570 : i32 to index
        %parallel_loop3A_576 = tpu.vector_load %arg4[%parallel_loop3A_573, %parallel_loop3A_574, %parallel_loop3A_575] {strides = array<i32>} : memref<6x5x1024xf32, #tpu.memory_space<vmem>>, vector<16xf32>,
        %parallel_loop3A_577 = arith.constant 5 : i32
        %parallel_loop3A_578 = arith.constant 1 : i32
        %parallel_loop3A_579 = arith.index_cast %parallel_loop3A_577 : i32 to index
        %parallel_loop3A_580 = arith.index_cast %parallel_loop3A_578 : i32 to index
        %parallel_loop3A_581 = arith.index_cast %parallel_loop3A_570 : i32 to index
        %parallel_loop3A_582 = tpu.vector_load %arg4[%parallel_loop3A_579, %parallel_loop3A_580, %parallel_loop3A_581] {strides = array<i32>} : memref<6x5x1024xf32, #tpu.memory_space<vmem>>, vector<16xf32>,
        %parallel_loop3A_583 = arith.constant 5 : i32
        %parallel_loop3A_584 = arith.constant 2 : i32
        %parallel_loop3A_585 = arith.index_cast %parallel_loop3A_583 : i32 to index
        %parallel_loop3A_586 = arith.index_cast %parallel_loop3A_584 : i32 to index
        %parallel_loop3A_587 = arith.index_cast %parallel_loop3A_570 : i32 to index
        %parallel_loop3A_588 = tpu.vector_load %arg4[%parallel_loop3A_585, %parallel_loop3A_586, %parallel_loop3A_587] {strides = array<i32>} : memref<6x5x1024xf32, #tpu.memory_space<vmem>>, vector<16xf32>,
        %parallel_loop3A_589 = arith.constant 5 : i32
        %parallel_loop3A_590 = arith.constant 3 : i32
        %parallel_loop3A_591 = arith.index_cast %parallel_loop3A_589 : i32 to index
        %parallel_loop3A_592 = arith.index_cast %parallel_loop3A_590 : i32 to index
        %parallel_loop3A_593 = arith.index_cast %parallel_loop3A_570 : i32 to index
        %parallel_loop3A_594 = tpu.vector_load %arg4[%parallel_loop3A_591, %parallel_loop3A_592, %parallel_loop3A_593] {strides = array<i32>} : memref<6x5x1024xf32, #tpu.memory_space<vmem>>, vector<16xf32>,
        %parallel_loop3A_595 = arith.constant 5 : i32
        %parallel_loop3A_596 = arith.constant 4 : i32
        %parallel_loop3A_597 = arith.index_cast %parallel_loop3A_595 : i32 to index
        %parallel_loop3A_598 = arith.index_cast %parallel_loop3A_596 : i32 to index
        %parallel_loop3A_599 = arith.index_cast %parallel_loop3A_570 : i32 to index
        %parallel_loop3A_600 = tpu.vector_load %arg4[%parallel_loop3A_597, %parallel_loop3A_598, %parallel_loop3A_599] {strides = array<i32>} : memref<6x5x1024xf32, #tpu.memory_space<vmem>>, vector<16xf32>,
        %parallel_loop3A_601 = arith.mulf %parallel_loop3A_576, %parallel_loop3A_582 : vector<16xf32>
        %parallel_loop3A_602 = arith.mulf %parallel_loop3A_601, %parallel_loop3A_588 : vector<16xf32>
        %parallel_loop3A_603 = arith.constant 5 : i32
        %parallel_loop3A_604 = arith.constant 0 : i32
        %parallel_loop3A_605 = arith.index_cast %parallel_loop3A_603 : i32 to index
        %parallel_loop3A_606 = arith.index_cast %parallel_loop3A_604 : i32 to index
        %parallel_loop3A_607 = arith.index_cast %parallel_loop3A_570 : i32 to index
        %parallel_loop3A_608 = tpu.vector_load %arg5[%parallel_loop3A_605, %parallel_loop3A_606, %parallel_loop3A_607] {strides = array<i32>} : memref<6x2x1024xf32, #tpu.memory_space<vmem>>, vector<16xf32>,
        tpu.vector_store %arg5[%parallel_loop3A_605, %parallel_loop3A_606, %parallel_loop3A_607], %parallel_loop3A_602 {strides = array<i32>} : memref<6x2x1024xf32, #tpu.memory_space<vmem>>, vector<16xf32>,
        %parallel_loop3A_609 = arith.mulf %parallel_loop3A_594, %parallel_loop3A_600 : vector<16xf32>
        %parallel_loop3A_610 = arith.constant 5 : i32
        %parallel_loop3A_611 = arith.constant 1 : i32
        %parallel_loop3A_612 = arith.index_cast %parallel_loop3A_610 : i32 to index
        %parallel_loop3A_613 = arith.index_cast %parallel_loop3A_611 : i32 to index
        %parallel_loop3A_614 = arith.index_cast %parallel_loop3A_570 : i32 to index
        %parallel_loop3A_615 = tpu.vector_load %arg5[%parallel_loop3A_612, %parallel_loop3A_613, %parallel_loop3A_614] {strides = array<i32>} : memref<6x2x1024xf32, #tpu.memory_space<vmem>>, vector<16xf32>,
        tpu.vector_store %arg5[%parallel_loop3A_612, %parallel_loop3A_613, %parallel_loop3A_614], %parallel_loop3A_609 {strides = array<i32>} : memref<6x2x1024xf32, #tpu.memory_space<vmem>>, vector<16xf32>,
      } {sc.loop_unroll_factor = 4 : i64, sc.parallel_access}
      %mul3A_547 = arith.constant 1024 : i32
      %mul3A_548 = arith.muli %min3A_522, %mul3A_547 : i32
      %multiple_of3A_549 = tpu.assume_multiple %mul3A_548, 1024 : i32
      %dma_start3A_550 = arith.constant 5 : i32
      %dma_start3A_551 = arith.constant 0 : i32
      %dma_start3A_552 = arith.constant 0 : i32
      %dma_start3A_553 = tpu.memref_slice %arg5[%dma_start3A_550, %dma_start3A_551, %dma_start3A_552] : memref<6x2x1024xf32, #tpu.memory_space<vmem>> -> memref<1x2x1024xf32, #tpu.memory_space<vmem>>
      %dma_start3A_554 = tpu.memref_squeeze %dma_start3A_553 : memref<1x2x1024xf32, #tpu.memory_space<vmem>> -> memref<2x1024xf32, #tpu.memory_space<vmem>>
      %dma_start3A_555 = arith.constant 0 : i32
      %dma_start3A_556 = tpu.memref_slice %arg3[%dma_start3A_555, %multiple_of3A_549] : memref<2x6400000xf32, #tpu.memory_space<hbm>> -> memref<2x1024xf32, #tpu.memory_space<hbm>>
      %dma_start3A_557 = arith.constant 0 : i32
      %dma_start3A_558 = tpu.memref_slice %arg3[%dma_start3A_557, %multiple_of3A_549] : memref<2x6400000xf32, #tpu.memory_space<hbm>> -> memref<2x1024xf32, #tpu.memory_space<hbm>>
      %dma_start3A_559 = arith.constant 0 : i32
      %dma_start3A_560 = arith.constant 0 : i32
      %dma_start3A_561 = tpu.memref_slice %arg5[%dma_start3A_550, %dma_start3A_559, %dma_start3A_560] : memref<6x2x1024xf32, #tpu.memory_space<vmem>> -> memref<1x2x1024xf32, #tpu.memory_space<vmem>>
      %dma_start3A_562 = tpu.memref_squeeze %dma_start3A_561 : memref<1x2x1024xf32, #tpu.memory_space<vmem>> -> memref<2x1024xf32, #tpu.memory_space<vmem>>
      tpu.enqueue_dma source(%dma_start3A_562 : memref<2x1024xf32, #tpu.memory_space<vmem>>) target(%dma_start3A_558 : memref<2x1024xf32, #tpu.memory_space<hbm>>) target_semaphore(%arg17 : memref<!tpu.dma_semaphore, #tpu.memory_space<semaphore_mem>>)
      %lt3A_563 = arith.constant 32 : i32
      %lt3A_564 = arith.cmpi slt, %scan3A_260, %lt3A_563 : i32
      %convert_element_type3A_565 = arith.extui %lt3A_564 : i1 to i32
      %cond3A_566 = arith.constant 0 : i32
      %cond3A_567 = arith.cmpi ne, %convert_element_type3A_565, %cond3A_566 : i32
      scf.if %cond3A_567 {
        %add3A_568 = arith.constant 1 : i32
        %add3A_569 = arith.addi %scan3A_260, %add3A_568 : i32
        %mul3A_570 = arith.constant 6 : i32
        %mul3A_571 = arith.muli %mul3A_570, %add3A_569 : i32
        %add3A_572 = arith.constant 5 : i32
        %add3A_573 = arith.addi %mul3A_571, %add3A_572 : i32
        %add3A_574 = arith.addi %select_n3A, %add3A_573 : i32
        %min3A_575 = arith.constant 6249 : i32
        %min3A_576 = arith.minsi %add3A_574, %min3A_575 : i32
        %mul3A_577 = arith.constant 1024 : i32
        %mul3A_578 = arith.muli %min3A_576, %mul3A_577 : i32
        %multiple_of3A_579 = tpu.assume_multiple %mul3A_578, 1024 : i32
        %dma_start3A_580 = arith.constant 5 : i32
        %dma_start3A_581 = arith.constant 0 : i32
        %dma_start3A_582 = arith.constant 0 : i32
        %dma_start3A_583 = tpu.memref_slice %arg4[%dma_start3A_580, %dma_start3A_581, %dma_start3A_582] : memref<6x5x1024xf32, #tpu.memory_space<vmem>> -> memref<1x5x1024xf32, #tpu.memory_space<vmem>>
        %dma_start3A_584 = tpu.memref_squeeze %dma_start3A_583 : memref<1x5x1024xf32, #tpu.memory_space<vmem>> -> memref<5x1024xf32, #tpu.memory_space<vmem>>
        %dma_start3A_585 = arith.constant 0 : i32
        %dma_start3A_586 = tpu.memref_slice %arg2[%dma_start3A_585, %multiple_of3A_579] : memref<5x6400000xf32, #tpu.memory_space<hbm>> -> memref<5x1024xf32, #tpu.memory_space<hbm>>
        %dma_start3A_587 = arith.constant 0 : i32
        %dma_start3A_588 = arith.constant 0 : i32
        %dma_start3A_589 = tpu.memref_slice %arg4[%dma_start3A_580, %dma_start3A_587, %dma_start3A_588] : memref<6x5x1024xf32, #tpu.memory_space<vmem>> -> memref<1x5x1024xf32, #tpu.memory_space<vmem>>
        %dma_start3A_590 = tpu.memref_squeeze %dma_start3A_589 : memref<1x5x1024xf32, #tpu.memory_space<vmem>> -> memref<5x1024xf32, #tpu.memory_space<vmem>>
        %dma_start3A_591 = arith.constant 0 : i32
        %dma_start3A_592 = tpu.memref_slice %arg2[%dma_start3A_591, %multiple_of3A_579] : memref<5x6400000xf32, #tpu.memory_space<hbm>> -> memref<5x1024xf32, #tpu.memory_space<hbm>>
        tpu.enqueue_dma source(%dma_start3A_592 : memref<5x1024xf32, #tpu.memory_space<hbm>>) target(%dma_start3A_590 : memref<5x1024xf32, #tpu.memory_space<vmem>>) target_semaphore(%arg11 : memref<!tpu.dma_semaphore, #tpu.memory_space<semaphore_mem>>)
      } else {
      }
    }
    %scan3A_140 = arith.constant 33 : i32
    %add3A_141 = arith.constant 192 : i32
    %add3A_142 = arith.addi %select_n3A, %add3A_141 : i32
    %min3A_143 = arith.constant 6249 : i32
    %min3A_144 = arith.minsi %add3A_142, %min3A_143 : i32
    %mul3A_145 = arith.constant 1024 : i32
    %mul3A_146 = arith.muli %min3A_144, %mul3A_145 : i32
    %multiple_of3A_147 = tpu.assume_multiple %mul3A_146, 1024 : i32
    %dma_wait3A = arith.constant 0 : i32
    %dma_wait3A_148 = arith.constant 0 : i32
    %dma_wait3A_149 = arith.constant 0 : i32
    %dma_wait3A_150 = tpu.memref_slice %arg5[%dma_wait3A, %dma_wait3A_148, %dma_wait3A_149] : memref<6x2x1024xf32, #tpu.memory_space<vmem>> -> memref<1x2x1024xf32, #tpu.memory_space<vmem>>
    %dma_wait3A_151 = tpu.memref_squeeze %dma_wait3A_150 : memref<1x2x1024xf32, #tpu.memory_space<vmem>> -> memref<2x1024xf32, #tpu.memory_space<vmem>>
    %dma_wait3A_152 = arith.constant 0 : i32
    %dma_wait3A_153 = tpu.memref_slice %arg3[%dma_wait3A_152, %multiple_of3A_147] : memref<2x6400000xf32, #tpu.memory_space<hbm>> -> memref<2x1024xf32, #tpu.memory_space<hbm>>
    %dma_wait3A_154 = arith.constant 0 : i32
    %dma_wait3A_155 = tpu.memref_slice %arg3[%dma_wait3A_154, %multiple_of3A_147] : memref<2x6400000xf32, #tpu.memory_space<hbm>> -> memref<2x1024xf32, #tpu.memory_space<hbm>>
    %dma_wait3A_156 = arith.constant 0 : i32
    %dma_wait3A_157 = arith.constant 0 : i32
    %dma_wait3A_158 = tpu.memref_slice %arg5[%dma_wait3A, %dma_wait3A_156, %dma_wait3A_157] : memref<6x2x1024xf32, #tpu.memory_space<vmem>> -> memref<1x2x1024xf32, #tpu.memory_space<vmem>>
    %dma_wait3A_159 = tpu.memref_squeeze %dma_wait3A_158 : memref<1x2x1024xf32, #tpu.memory_space<vmem>> -> memref<2x1024xf32, #tpu.memory_space<vmem>>
    tpu.wait_dma2 semaphore(%arg12 : memref<!tpu.dma_semaphore, #tpu.memory_space<semaphore_mem>>) src(%dma_wait3A_159 : memref<2x1024xf32, #tpu.memory_space<vmem>>) dst(%dma_wait3A_155 : memref<2x1024xf32, #tpu.memory_space<hbm>>)
    %add3A_160 = arith.constant 193 : i32
    %add3A_161 = arith.addi %select_n3A, %add3A_160 : i32
    %min3A_162 = arith.constant 6249 : i32
    %min3A_163 = arith.minsi %add3A_161, %min3A_162 : i32
    %mul3A_164 = arith.constant 1024 : i32
    %mul3A_165 = arith.muli %min3A_163, %mul3A_164 : i32
    %multiple_of3A_166 = tpu.assume_multiple %mul3A_165, 1024 : i32
    %dma_wait3A_167 = arith.constant 1 : i32
    %dma_wait3A_168 = arith.constant 0 : i32
    %dma_wait3A_169 = arith.constant 0 : i32
    %dma_wait3A_170 = tpu.memref_slice %arg5[%dma_wait3A_167, %dma_wait3A_168, %dma_wait3A_169] : memref<6x2x1024xf32, #tpu.memory_space<vmem>> -> memref<1x2x1024xf32, #tpu.memory_space<vmem>>
    %dma_wait3A_171 = tpu.memref_squeeze %dma_wait3A_170 : memref<1x2x1024xf32, #tpu.memory_space<vmem>> -> memref<2x1024xf32, #tpu.memory_space<vmem>>
    %dma_wait3A_172 = arith.constant 0 : i32
    %dma_wait3A_173 = tpu.memref_slice %arg3[%dma_wait3A_172, %multiple_of3A_166] : memref<2x6400000xf32, #tpu.memory_space<hbm>> -> memref<2x1024xf32, #tpu.memory_space<hbm>>
    %dma_wait3A_174 = arith.constant 0 : i32
    %dma_wait3A_175 = tpu.memref_slice %arg3[%dma_wait3A_174, %multiple_of3A_166] : memref<2x6400000xf32, #tpu.memory_space<hbm>> -> memref<2x1024xf32, #tpu.memory_space<hbm>>
    %dma_wait3A_176 = arith.constant 0 : i32
    %dma_wait3A_177 = arith.constant 0 : i32
    %dma_wait3A_178 = tpu.memref_slice %arg5[%dma_wait3A_167, %dma_wait3A_176, %dma_wait3A_177] : memref<6x2x1024xf32, #tpu.memory_space<vmem>> -> memref<1x2x1024xf32, #tpu.memory_space<vmem>>
    %dma_wait3A_179 = tpu.memref_squeeze %dma_wait3A_178 : memref<1x2x1024xf32, #tpu.memory_space<vmem>> -> memref<2x1024xf32, #tpu.memory_space<vmem>>
    tpu.wait_dma2 semaphore(%arg13 : memref<!tpu.dma_semaphore, #tpu.memory_space<semaphore_mem>>) src(%dma_wait3A_179 : memref<2x1024xf32, #tpu.memory_space<vmem>>) dst(%dma_wait3A_175 : memref<2x1024xf32, #tpu.memory_space<hbm>>)
    %add3A_180 = arith.constant 194 : i32
    %add3A_181 = arith.addi %select_n3A, %add3A_180 : i32
    %min3A_182 = arith.constant 6249 : i32
    %min3A_183 = arith.minsi %add3A_181, %min3A_182 : i32
    %mul3A_184 = arith.constant 1024 : i32
    %mul3A_185 = arith.muli %min3A_183, %mul3A_184 : i32
    %multiple_of3A_186 = tpu.assume_multiple %mul3A_185, 1024 : i32
    %dma_wait3A_187 = arith.constant 2 : i32
    %dma_wait3A_188 = arith.constant 0 : i32
    %dma_wait3A_189 = arith.constant 0 : i32
    %dma_wait3A_190 = tpu.memref_slice %arg5[%dma_wait3A_187, %dma_wait3A_188, %dma_wait3A_189] : memref<6x2x1024xf32, #tpu.memory_space<vmem>> -> memref<1x2x1024xf32, #tpu.memory_space<vmem>>
    %dma_wait3A_191 = tpu.memref_squeeze %dma_wait3A_190 : memref<1x2x1024xf32, #tpu.memory_space<vmem>> -> memref<2x1024xf32, #tpu.memory_space<vmem>>
    %dma_wait3A_192 = arith.constant 0 : i32
    %dma_wait3A_193 = tpu.memref_slice %arg3[%dma_wait3A_192, %multiple_of3A_186] : memref<2x6400000xf32, #tpu.memory_space<hbm>> -> memref<2x1024xf32, #tpu.memory_space<hbm>>
    %dma_wait3A_194 = arith.constant 0 : i32
    %dma_wait3A_195 = tpu.memref_slice %arg3[%dma_wait3A_194, %multiple_of3A_186] : memref<2x6400000xf32, #tpu.memory_space<hbm>> -> memref<2x1024xf32, #tpu.memory_space<hbm>>
    %dma_wait3A_196 = arith.constant 0 : i32
    %dma_wait3A_197 = arith.constant 0 : i32
    %dma_wait3A_198 = tpu.memref_slice %arg5[%dma_wait3A_187, %dma_wait3A_196, %dma_wait3A_197] : memref<6x2x1024xf32, #tpu.memory_space<vmem>> -> memref<1x2x1024xf32, #tpu.memory_space<vmem>>
    %dma_wait3A_199 = tpu.memref_squeeze %dma_wait3A_198 : memref<1x2x1024xf32, #tpu.memory_space<vmem>> -> memref<2x1024xf32, #tpu.memory_space<vmem>>
    tpu.wait_dma2 semaphore(%arg14 : memref<!tpu.dma_semaphore, #tpu.memory_space<semaphore_mem>>) src(%dma_wait3A_199 : memref<2x1024xf32, #tpu.memory_space<vmem>>) dst(%dma_wait3A_195 : memref<2x1024xf32, #tpu.memory_space<hbm>>)
    %add3A_200 = arith.constant 195 : i32
    %add3A_201 = arith.addi %select_n3A, %add3A_200 : i32
    %min3A_202 = arith.constant 6249 : i32
    %min3A_203 = arith.minsi %add3A_201, %min3A_202 : i32
    %mul3A_204 = arith.constant 1024 : i32
    %mul3A_205 = arith.muli %min3A_203, %mul3A_204 : i32
    %multiple_of3A_206 = tpu.assume_multiple %mul3A_205, 1024 : i32
    %dma_wait3A_207 = arith.constant 3 : i32
    %dma_wait3A_208 = arith.constant 0 : i32
    %dma_wait3A_209 = arith.constant 0 : i32
    %dma_wait3A_210 = tpu.memref_slice %arg5[%dma_wait3A_207, %dma_wait3A_208, %dma_wait3A_209] : memref<6x2x1024xf32, #tpu.memory_space<vmem>> -> memref<1x2x1024xf32, #tpu.memory_space<vmem>>
    %dma_wait3A_211 = tpu.memref_squeeze %dma_wait3A_210 : memref<1x2x1024xf32, #tpu.memory_space<vmem>> -> memref<2x1024xf32, #tpu.memory_space<vmem>>
    %dma_wait3A_212 = arith.constant 0 : i32
    %dma_wait3A_213 = tpu.memref_slice %arg3[%dma_wait3A_212, %multiple_of3A_206] : memref<2x6400000xf32, #tpu.memory_space<hbm>> -> memref<2x1024xf32, #tpu.memory_space<hbm>>
    %dma_wait3A_214 = arith.constant 0 : i32
    %dma_wait3A_215 = tpu.memref_slice %arg3[%dma_wait3A_214, %multiple_of3A_206] : memref<2x6400000xf32, #tpu.memory_space<hbm>> -> memref<2x1024xf32, #tpu.memory_space<hbm>>
    %dma_wait3A_216 = arith.constant 0 : i32
    %dma_wait3A_217 = arith.constant 0 : i32
    %dma_wait3A_218 = tpu.memref_slice %arg5[%dma_wait3A_207, %dma_wait3A_216, %dma_wait3A_217] : memref<6x2x1024xf32, #tpu.memory_space<vmem>> -> memref<1x2x1024xf32, #tpu.memory_space<vmem>>
    %dma_wait3A_219 = tpu.memref_squeeze %dma_wait3A_218 : memref<1x2x1024xf32, #tpu.memory_space<vmem>> -> memref<2x1024xf32, #tpu.memory_space<vmem>>
    tpu.wait_dma2 semaphore(%arg15 : memref<!tpu.dma_semaphore, #tpu.memory_space<semaphore_mem>>) src(%dma_wait3A_219 : memref<2x1024xf32, #tpu.memory_space<vmem>>) dst(%dma_wait3A_215 : memref<2x1024xf32, #tpu.memory_space<hbm>>)
    %add3A_220 = arith.constant 196 : i32
    %add3A_221 = arith.addi %select_n3A, %add3A_220 : i32
    %min3A_222 = arith.constant 6249 : i32
    %min3A_223 = arith.minsi %add3A_221, %min3A_222 : i32
    %mul3A_224 = arith.constant 1024 : i32
    %mul3A_225 = arith.muli %min3A_223, %mul3A_224 : i32
    %multiple_of3A_226 = tpu.assume_multiple %mul3A_225, 1024 : i32
    %dma_wait3A_227 = arith.constant 4 : i32
    %dma_wait3A_228 = arith.constant 0 : i32
    %dma_wait3A_229 = arith.constant 0 : i32
    %dma_wait3A_230 = tpu.memref_slice %arg5[%dma_wait3A_227, %dma_wait3A_228, %dma_wait3A_229] : memref<6x2x1024xf32, #tpu.memory_space<vmem>> -> memref<1x2x1024xf32, #tpu.memory_space<vmem>>
    %dma_wait3A_231 = tpu.memref_squeeze %dma_wait3A_230 : memref<1x2x1024xf32, #tpu.memory_space<vmem>> -> memref<2x1024xf32, #tpu.memory_space<vmem>>
    %dma_wait3A_232 = arith.constant 0 : i32
    %dma_wait3A_233 = tpu.memref_slice %arg3[%dma_wait3A_232, %multiple_of3A_226] : memref<2x6400000xf32, #tpu.memory_space<hbm>> -> memref<2x1024xf32, #tpu.memory_space<hbm>>
    %dma_wait3A_234 = arith.constant 0 : i32
    %dma_wait3A_235 = tpu.memref_slice %arg3[%dma_wait3A_234, %multiple_of3A_226] : memref<2x6400000xf32, #tpu.memory_space<hbm>> -> memref<2x1024xf32, #tpu.memory_space<hbm>>
    %dma_wait3A_236 = arith.constant 0 : i32
    %dma_wait3A_237 = arith.constant 0 : i32
    %dma_wait3A_238 = tpu.memref_slice %arg5[%dma_wait3A_227, %dma_wait3A_236, %dma_wait3A_237] : memref<6x2x1024xf32, #tpu.memory_space<vmem>> -> memref<1x2x1024xf32, #tpu.memory_space<vmem>>
    %dma_wait3A_239 = tpu.memref_squeeze %dma_wait3A_238 : memref<1x2x1024xf32, #tpu.memory_space<vmem>> -> memref<2x1024xf32, #tpu.memory_space<vmem>>
    tpu.wait_dma2 semaphore(%arg16 : memref<!tpu.dma_semaphore, #tpu.memory_space<semaphore_mem>>) src(%dma_wait3A_239 : memref<2x1024xf32, #tpu.memory_space<vmem>>) dst(%dma_wait3A_235 : memref<2x1024xf32, #tpu.memory_space<hbm>>)
    %add3A_240 = arith.constant 197 : i32
    %add3A_241 = arith.addi %select_n3A, %add3A_240 : i32
    %min3A_242 = arith.constant 6249 : i32
    %min3A_243 = arith.minsi %add3A_241, %min3A_242 : i32
    %mul3A_244 = arith.constant 1024 : i32
    %mul3A_245 = arith.muli %min3A_243, %mul3A_244 : i32
    %multiple_of3A_246 = tpu.assume_multiple %mul3A_245, 1024 : i32
    %dma_wait3A_247 = arith.constant 5 : i32
    %dma_wait3A_248 = arith.constant 0 : i32
    %dma_wait3A_249 = arith.constant 0 : i32
    %dma_wait3A_250 = tpu.memref_slice %arg5[%dma_wait3A_247, %dma_wait3A_248, %dma_wait3A_249] : memref<6x2x1024xf32, #tpu.memory_space<vmem>> -> memref<1x2x1024xf32, #tpu.memory_space<vmem>>
    %dma_wait3A_251 = tpu.memref_squeeze %dma_wait3A_250 : memref<1x2x1024xf32, #tpu.memory_space<vmem>> -> memref<2x1024xf32, #tpu.memory_space<vmem>>
    %dma_wait3A_252 = arith.constant 0 : i32
    %dma_wait3A_253 = tpu.memref_slice %arg3[%dma_wait3A_252, %multiple_of3A_246] : memref<2x6400000xf32, #tpu.memory_space<hbm>> -> memref<2x1024xf32, #tpu.memory_space<hbm>>
    %dma_wait3A_254 = arith.constant 0 : i32
    %dma_wait3A_255 = tpu.memref_slice %arg3[%dma_wait3A_254, %multiple_of3A_246] : memref<2x6400000xf32, #tpu.memory_space<hbm>> -> memref<2x1024xf32, #tpu.memory_space<hbm>>
    %dma_wait3A_256 = arith.constant 0 : i32
    %dma_wait3A_257 = arith.constant 0 : i32
    %dma_wait3A_258 = tpu.memref_slice %arg5[%dma_wait3A_247, %dma_wait3A_256, %dma_wait3A_257] : memref<6x2x1024xf32, #tpu.memory_space<vmem>> -> memref<1x2x1024xf32, #tpu.memory_space<vmem>>
    %dma_wait3A_259 = tpu.memref_squeeze %dma_wait3A_258 : memref<1x2x1024xf32, #tpu.memory_space<vmem>> -> memref<2x1024xf32, #tpu.memory_space<vmem>>
    tpu.wait_dma2 semaphore(%arg17 : memref<!tpu.dma_semaphore, #tpu.memory_space<semaphore_mem>>) src(%dma_wait3A_259 : memref<2x1024xf32, #tpu.memory_space<vmem>>) dst(%dma_wait3A_255 : memref<2x1024xf32, #tpu.memory_space<hbm>>)
    return
  }
}

</mosaic_0001>

<sc_bundles>
// kernel: kernel.3.cloned.1.call-start
scs
__scs_entry_jumppad:
0x0: {  	(pc) =	sbr.rel $0x88, $3  }
0x1: {  	(tag) =	ssettag $0x0;
	lr =	simm.s32 $0x1  }
0x2: {  	[smem:$0x3FA0] =	sst lr;
	_ =	strace $0xD0000000  }
0x3: {  	_ = 	snop  }
0x4: {  	_ = 	snop  }
0x5: {  	_ = 	snop  }
0x6: {  	_ = 	snop  }
0x7: {  	_ = 	snop  }
__scs_overlays_trampoline_lowered:
0x8: {  	[smem:$0x3FAF] =	sst s0  }
0x9: {  	[smem:$0x3FB0] =	sst s1  }
0xa: {  	[smem:$0x3FB1] =	sst s2  }
0xb: {  	[smem:$0x3FB2] =	sst s3  }
0xc: {  	[smem:$0x3FB3] =	sst s4  }
0xd: {  	[smem:$0x3FB4] =	sst s5  }
0xe: {  	[smem:$0x3FB5] =	sst s6  }
0xf: {  	[smem:$0x3FB6] =	sst s7  }
0x10: {  	[smem:$0x3FB7] =	sst s8  }
0x11: {  	[smem:$0x3FB8] =	sst s9;
	s0 =	simm.s32 @!p0 $0x0  }
0x12: {  	s1 =	sld [smem:$0x3F9E];
	s0 =	simm.s32 @p0 $0x1  }
0x13: {  	[smem:$0x3FB9] =	sst s0;
	s0 =	simm.s32 @!p1 $0x0  }
0x14: {  	s2 =	sld [smem:$0x3F9D];
	s0 =	simm.s32 @p1 $0x1  }
0x15: {  	[smem:$0x3FBA] =	sst s0;
	s0 =	simm.s32 @!p2 $0x0  }
0x16: {  	s3 =	sld [smem:$0x3FDB];
	s0 =	simm.s32 @p2 $0x1  }
0x17: {  	s4 =	simm.s32 $0x1BF5;
	[smem:$0x3FBC] =	sst s0  }
0x18: {  	s0 =	sld [smem:$0x3F9F];
	_ =	swait.ge [sflag:s4], $0x0  }
0x19: {  	s7 =	sld [smem:$0x3FA0]  }
0x1a: {  	s8 =	sadd.s32 $0xFFFFE003, lr  }
0x1b: {  	s9 =	sadd.s32 $0xFFFFFEF7, lr;
	s5 =	simm.s32 $0xFFFFFFFF;
	p2 =	slt.u32 s8, $0xFFFFF086  }
0x1c: {  	p1 =	slt.u32 s9, $0xF7A;
	s5 =	simm.s32 @!p2 $0x0  }
0x1d: {  	s5 =	simm.s32 @p1 $0x1;
	p0 =	seq.s32 s7, s2  }
0x1e: {  	s7 =	smul.u32 @!p0 $0xF7A, s2;
	p2 =	seq.s32 @!p0 s5, $0x0  }
0x1f: {  	s9 =	smul.u32 $0xF7A, s1;
	s8 =	simm.s32 @!p0 $0x1BF5;
	p2 =	por !p2, p0  }
0x20: {  	[sflag:s8] =	ssyncset.s32 @!p0 $0xFFFFF086;
	s6 =	sadd.s32 @!p0 s3, s7;
	s7 =	simm.s32 @!p0 $0x108  }
0x21: {  	s3 =	sadd.s32 s3, s9;
	s6 =	sadd.s32 @!p0 $0x88, s6;
	s7 =	simm.s32 @p2 $0x1082  }
0x22: {  	[simem:s7], [sflag:s8] =	dma.local @!p0 [hbm:s6], $0xF7A  }
0x23: {  	s9 =	sor.u32 $0xD0000000, s2;
	s6 =	simm.s32 $0x108;
	_ =	swait.ge @!p0 [sflag:s8], $0x0  }
0x24: {  	s3 =	sadd.s32 $0x88, s3;
	s6 =	simm.s32 @!p1 $0x1082;
	[sflag:s4] =	ssyncset.s32 $0xFFFFF086  }
0x25: {  	[simem:s6], [sflag:s4] =	dma.local [hbm:s3], $0xF7A  }
0x26: {  	[smem:$0x3FA0] =	sst s1;
	(tag) =	ssettag s2;
	_ =	strace s9  }
0x27: {  	s1 =	sld [smem:$0x3FB0]  }
0x28: {  	s2 =	sld [smem:$0x3FB1]  }
0x29: {  	s4 =	sld [smem:$0x3FB3]  }
0x2a: {  	p0 =	seq.s32 s5, $0x0;
	s5 =	sld [smem:$0x3FB4]  }
0x2b: {  	s6 =	sld [smem:$0x3FB5]  }
0x2c: {  	s7 =	sld [smem:$0x3FB6]  }
0x2d: {  	s3 =	simm.s32 $0x108;
	s8 =	sld [smem:$0x3FB7]  }
0x2e: {  	s3 =	simm.s32 @!p0 $0x1082;
	s9 =	sld [smem:$0x3FB8]  }
0x2f: {  	lr =	sadd.s32 s0, s3;
	s0 =	sld [smem:$0x3FAF]  }
0x30: {  	s3 =	sld [smem:$0x3FB2]  }
0x31: {  	[smem:$0x3FBB] =	sst s10  }
0x32: {  	s10 =	sld [smem:$0x3FB9];
	_ =	sdelay $0x3  }
0x33: {  	p0 =	seq.s32 s10, $0x1;
	s10 =	sld [smem:$0x3FBB];
	_ =	sdelay $0x3  }
0x34: {  	[smem:$0x3FBB] =	sst s10  }
0x35: {  	s10 =	sld [smem:$0x3FBA];
	_ =	sdelay $0x3  }
0x36: {  	p1 =	seq.s32 s10, $0x1;
	s10 =	sld [smem:$0x3FBB];
	_ =	sdelay $0x3  }
0x37: {  	[smem:$0x3FBB] =	sst s10  }
0x38: {  	s10 =	sld [smem:$0x3FBC]  }
0x39: {  	_ = 	snop;
	(pc) =	sbr.ind lr, $3  }
0x3a: {  	_ = 	snop  }
0x3b: {  	_ = 	snop  }
0x3c: {  	p2 =	seq.s32 s10, $0x1;
	s10 =	sld [smem:$0x3FBB]  }
0x3d: {  	_ =	shalt  }
0x3e: {  	_ =	shalt  }
0x3f: {  	_ =	shalt  }
0x40: {  	_ =	shalt  }
0x41: {  	_ =	shalt  }
0x42: {  	_ =	shalt  }
0x43: {  	_ =	shalt  }
0x44: {  	_ =	shalt  }
0x45: {  	_ =	shalt  }
0x46: {  	_ =	shalt  }
0x47: {  	_ =	shalt  }
0x48: {  	_ =	shalt  }
0x49: {  	_ =	shalt  }
0x4a: {  	_ =	shalt  }
0x4b: {  	_ =	shalt  }
0x4c: {  	_ =	shalt  }
0x4d: {  	_ =	shalt  }
0x4e: {  	_ =	shalt  }
0x4f: {  	_ =	shalt  }
0x50: {  	_ =	shalt  }
0x51: {  	_ =	shalt  }
0x52: {  	_ =	shalt  }
0x53: {  	_ =	shalt  }
0x54: {  	_ =	shalt  }
0x55: {  	_ =	shalt  }
0x56: {  	_ =	shalt  }
0x57: {  	_ =	shalt  }
0x58: {  	_ =	shalt  }
0x59: {  	_ =	shalt  }
0x5a: {  	_ =	shalt  }
0x5b: {  	_ =	shalt  }
0x5c: {  	_ =	shalt  }
0x5d: {  	_ =	shalt  }
0x5e: {  	_ =	shalt  }
0x5f: {  	_ =	shalt  }
0x60: {  	_ =	shalt  }
0x61: {  	_ =	shalt  }
0x62: {  	_ =	shalt  }
0x63: {  	_ =	shalt  }
0x64: {  	_ =	shalt  }
0x65: {  	_ =	shalt  }
0x66: {  	_ =	shalt  }
0x67: {  	_ =	shalt  }
0x68: {  	_ =	shalt  }
0x69: {  	_ =	shalt  }
0x6a: {  	_ =	shalt  }
0x6b: {  	_ =	shalt  }
0x6c: {  	_ =	shalt  }
0x6d: {  	_ =	shalt  }
0x6e: {  	_ =	shalt  }
0x6f: {  	_ =	shalt  }
0x70: {  	_ =	shalt  }
0x71: {  	_ =	shalt  }
0x72: {  	_ =	shalt  }
0x73: {  	_ =	shalt  }
0x74: {  	_ =	shalt  }
0x75: {  	_ =	shalt  }
0x76: {  	_ =	shalt  }
0x77: {  	_ =	shalt  }
0x78: {  	_ =	shalt  }
0x79: {  	_ =	shalt  }
0x7a: {  	_ =	shalt  }
0x7b: {  	_ =	shalt  }
0x7c: {  	_ =	shalt  }
0x7d: {  	_ =	shalt  }
0x7e: {  	_ =	shalt  }
0x7f: {  	_ =	shalt  }
0x80: {  	_ =	shalt  }
0x81: {  	_ =	shalt  }
0x82: {  	_ =	shalt  }
0x83: {  	_ =	shalt  }
0x84: {  	_ =	shalt  }
0x85: {  	_ =	shalt  }
0x86: {  	_ =	shalt  }
0x87: {  	_ =	shalt  }
.Lfunc_end0:
.L_simem_size_0:
called_computation_lowered:
.L_overlay_start_0:
0x88: {  	s2 =	sld [smem:$0x3FD9]  }
0x89: {  	s3 =	sld [smem:$0x3FFE];
	_ =	sdelay $0x1  }
0x8a: {  	s1 =	srdreg.scid  }
0x8b: {  	s0 =	sand.u32 $0x1, s1  }
0x8c: {  	s18 =	sshll.u32 s0, $0xA;
	s2 =	sadd.s32 s3, s2  }
0x8d: {  	s2 =	sadd.s32 s2, s18  }
0x8e: {  	[smem:$0x3FC7] =	sst s2  }
0x8f: {  	_ = 	snop  }
0x90: {  	s2 =	sld [smem:$0x3FC9]  }
0x91: {  	s19 =	sld [smem:$0x3FD0];
	(tm) =	ssettm $0x1  }
0x92: {  	s4 =	sld [smem:$0x3FFB];
	_ =	sdelay $0x3  }
0x93: {  	_ =	strace s4  }
0x94: {  	s4 =	sld [smem:$0x3FFC];
	_ =	sdelay $0x3  }
0x95: {  	_ =	strace s4  }
0x96: {  	s4 =	sld [smem:$0x3FFD];
	_ =	sdelay $0x3  }
0x97: {  	_ =	strace s4  }
0x98: {  	_ =	strace $0x8FFFFFFF  }
0x99: {  	s20 =	sld [smem:$0x3FDB];
	_ =	sdelay $0x1  }
0x9a: {  	s5 =	simm.s32 $_scs_section_size  }
0x9b: {  	s6 =	simm.s32 $_size__tile_overlayer_lowered;
	s7 =	simm.s32 $_tile_overlayer_lowered  }
0x9c: {  	s23 =	simm.s32 $0x1BFF;
	s22 =	sshll.u32 s7, $0x1;
	s4 =	sadd.s32 s5, s20  }
0x9d: {  	s8 =	simm.s32 $0x0;
	s21 =	sshll.u32 s6, $0x1;
	s6 =	sadd.s32 s22, s4  }
0x9e: {  	[timem:s8], [sflag:s23] =	dma.local [hbm:s6], s21  }
0x9f: {  	_ =	swait.ge [sflag:s23], s21  }
0xa0: {  	s5 =	ssub.s32 $0x0, s21;
	[sflag:s23] =	ssyncset.done $0x0  }
0xa1: {  	[sflag:s23] =	ssyncadd.s32 s5;
	_ =	sdelay $0x1  }
0xa2: {  	s24 =	simm.s32 $0x1B8B  }
0xa3: {  	_ =	swait.ge [sflag:s24], $0x1  }
0xa4: {  	[sflag:s24] =	ssyncset.done $0x0  }
0xa5: {  	s25 =	simm.s32 $0x1B8E;
	[sflag:s24] =	ssyncadd.s32 $0xFFFFFFFF  }
0xa6: {  	s26 =	simm.s32 $execute0_lowered;
	[smem:$0x3FD2] =	sst s25  }
0xa7: {  	s5 =	sshll.u32 s26, $0x1;
	_ =	strace $0x80000046;
	[dreg:$0x1] =	wrdreg $0xFFFFFFFF  }
0xa8: {  	s28 =	simm.s32 $_size_execute0_lowered;
	s4 =	sadd.s32 s4, s5;
	[dreg:$0x0] =	wrdreg $0x0  }
0xa9: {  	s5 =	sshll.u32 s28, $0x1;
	[dreg:$0x2] =	wrdreg s4  }
0xaa: {  	[dreg:$0x3] =	wrdreg s5  }
0xab: {  	[dreg:$0x4] =	wrdreg $0xC0  }
0xac: {  	_ =	task [dreg:s8], $0x5FFFF  }
0xad: {  	[dreg:$0x1] =	wrdreg $0xFFFFFFFF  }
0xae: {  	[dreg:$0x0] =	wrdreg $0x60  }
0xaf: {  	[dreg:$0x2] =	wrdreg s2  }
0xb0: {  	[dreg:$0x3] =	wrdreg s19  }
0xb1: {  	[dreg:$0x4] =	wrdreg $0x9  }
0xb2: {  	_ =	task.clear_ibuf [dreg:s8], $0x5FFFF;
	_ =	strace $0x90000046  }
0xb3: {  	s29 =	simm.s32 $0x9;
	_ =	strace $0x80000048  }
0xb4: {  	_ =	swait.ge [sflag:s29], $0x1  }
0xb5: {  	[sflag:s29] =	ssyncadd.s32 $0xFFFFFFFF  }
0xb6: {  	_ =	strace $0x90000048  }
0xb7: {  	_ =	sfence  }
0xb8: {  	s30 =	sld [smem:$0x0];
	_ =	sdelay $0x2  }
0xb9: {  	s31 =	sshll.u32 s1, $0xD;
	s1 =	sshrl.u32 s1, $0x2  }
0xba: {  	s3 =	sand.u32 $0x4000, s31;
	s1 =	sadd.s32 s1, s30  }
0xbb: {  	s0 =	sor.u32 s3, s0;
	s1 =	sshll.u32 s1, $0x11  }
0xbc: {  	s0 =	sor.u32 s1, s0  }
0xbd: {  	s0 =	sadd.s32 $0x8F2B, s0  }
0xbe: {  	[sflag:s0] =	ssyncadd.remote.s32 $0x1  }
0xbf: {  	_ =	sfence.sel $0xFFFF  }
0xc0: {  	[dreg:$0x0] =	wrdreg $0xFFFFFFFF;
	(pc) =	sbr.abs _section_cstart, $3  }
0xc1: {  	[dreg:$0x1] =	wrdreg $0xFFFFFFFF  }
0xc2: {  	_ =	task.clear_ibuf [dreg:s8], $0x2FFFF;
	_ =	strace $0x9FFFFFFF  }
0xc3: {  	(tm) =	ssettm $0x7FFFFFFF  }
tec
execute0_lowered:
.L_overlay_start_1:
0x0: {  	(tag) =	ssettag $0x1  }
0x1: {  	s0 =	srdreg.scid;
	s1 =	stileid.u32  }
0x2: {  	s0 =	sand.u32 $0x1, s0;
	s1 =	sshll.u32 s1, $0x1  }
0x3: {  	s1 =	sor.u32 s0, s1  }
0x4: {  	s2 =	rddreg [dreg:$0x0];
	s0 =	ssub.s32 $0x2, s0;
	s1 =	smul.u32 $0x186A, s1  }
0x5: {  	s3 =	rddreg [dreg:$0x1];
	s4 =	simm.s32 $0x0;
	s5 =	sshrl.u32 s0, $0x1  }
0x6: {  	[smem:$0x7FF] =	sst s4;
	s0 =	ssub.s32 s0, s5;
	s6 =	sshrl.u32 s1, $0x5  }
0x7: {  	_ =	strace $0x80000047;
	s0 =	smax.u32 s0, $0x1;
	[dreg:$0x3] =	wrdreg s6  }
0x8: {  	s20 =	sadd.s32 $0x6, s6;
	[dreg:$0x15] =	wrdreg s0  }
0x9: {  	s21 =	sadd.s32 $0x1, s6;
	[dreg:$0xa] =	wrdreg s20  }
0xa: {  	s22 =	sadd.s32 $0x7, s6;
	[dreg:$0xb] =	wrdreg s21  }
0xb: {  	s23 =	sadd.s32 $0x2, s6;
	[dreg:$0xc] =	wrdreg s22  }
0xc: {  	s24 =	sadd.s32 $0x8, s6;
	[dreg:$0xd] =	wrdreg s23  }
0xd: {  	s25 =	sadd.s32 $0x3, s6;
	[dreg:$0xe] =	wrdreg s24  }
0xe: {  	s26 =	sadd.s32 $0x9, s6;
	[dreg:$0xf] =	wrdreg s25  }
0xf: {  	s28 =	sadd.s32 $0x4, s6;
	[dreg:$0x10] =	wrdreg s26  }
0x10: {  	s29 =	sadd.s32 $0xA, s6;
	[dreg:$0x11] =	wrdreg s28  }
0x11: {  	s30 =	sadd.s32 $0x5, s6;
	[dreg:$0x12] =	wrdreg s29  }
0x12: {  	s1 =	sshll.u32 s6, $0xA;
	s31 =	sadd.s32 $0xB, s6;
	[dreg:$0x13] =	wrdreg s30  }
0x13: {  	s1 =	sadd.s32 s2, s1;
	[dreg:$0x14] =	wrdreg s31  }
0x14: {  	s16 =	sadd.s32 $0x400, s1;
	[dreg:$0x4] =	wrdreg s1  }
.Ltmp0:
0x15: {  	s17 =	sadd.s32 $0x800, s1;
	[dreg:$0x5] =	wrdreg s16;
	(pc) =	sbr.rel .LBB2_1-.Ltmp0, $4  }
0x16: {  	s18 =	sadd.s32 $0xC00, s1;
	[dreg:$0x6] =	wrdreg s17  }
0x17: {  	s19 =	sadd.s32 $0x1000, s1;
	[dreg:$0x7] =	wrdreg s18  }
0x18: {  	s1 =	sadd.s32 $0x1400, s1;
	[dreg:$0x8] =	wrdreg s19  }
0x19: {  	s5 =	simm.s32 $0x0;
	[dreg:$0x9] =	wrdreg s1  }
.LBB2_16:
0x1a: {  	s0 =	simm.s32 $0x7  }
0x1b: {  	_ =	swait.ge [sflag:s0], $0x800  }
0x1c: {  	[sflag:s0] =	ssyncset.done $0x0  }
0x1d: {  	s26 =	simm.s32 $0x8;
	[sflag:s0] =	ssyncadd.s32 $0xFFFFF800  }
0x1e: {  	_ =	swait.ge [sflag:s26], $0x800  }
0x1f: {  	[sflag:s26] =	ssyncset.done $0x0  }
0x20: {  	s28 =	simm.s32 $0x9;
	[sflag:s26] =	ssyncadd.s32 $0xFFFFF800  }
0x21: {  	_ =	swait.ge [sflag:s28], $0x800  }
0x22: {  	[sflag:s28] =	ssyncset.done $0x0  }
0x23: {  	s29 =	simm.s32 $0xA;
	[sflag:s28] =	ssyncadd.s32 $0xFFFFF800  }
0x24: {  	_ =	swait.ge [sflag:s29], $0x800  }
0x25: {  	[sflag:s29] =	ssyncset.done $0x0  }
0x26: {  	s30 =	simm.s32 $0xB;
	[sflag:s29] =	ssyncadd.s32 $0xFFFFF800  }
0x27: {  	_ =	swait.ge [sflag:s30], $0x800  }
0x28: {  	[sflag:s30] =	ssyncset.done $0x0  }
0x29: {  	s1 =	simm.s32 $0xC;
	[sflag:s30] =	ssyncadd.s32 $0xFFFFF800  }
0x2a: {  	_ =	swait.ge [sflag:s1], $0x800  }
0x2b: {  	s5 =	rddreg [dreg:$0x16]  }
0x2c: {  	s31 =	rddreg [dreg:$0x15];
	s5 =	sadd.s32 $0x1, s5  }
0x2d: {  	p0 =	sne.s32 s5, s31  }
.Ltmp1:
0x2e: {  	_ = 	snop;
	(pc) =	sbr.rel @!p0 .LBB2_17-.Ltmp1, $3  }
0x2f: {  	_ =	sdelay $0x1  }
0x30: {  	[sflag:s1] =	ssyncset.done $0x0  }
0x31: {  	[sflag:s1] =	ssyncadd.s32 $0xFFFFF800  }
.LBB2_1:
0x32: {  	[dreg:$0x16] =	wrdreg s5  }
0x33: {  	s0 =	rddreg [dreg:$0x4]  }
0x34: {  	[tilespmem:s4], [sflag:$0x1] =	stream.linear.gather [hbm4b:s0+s4], $0x2000, $0x38;
	[tilespmem:$0xF000] =	vst v63  }
0x35: {  	s22 =	rddreg [dreg:$0x5];
	s1 =	simm.s32 $0x2000  }
0x36: {  	[tilespmem:s1], [sflag:$0x2] =	stream.linear.gather [hbm4b:s22+s4], $0x2000, $0x38;
	[tilespmem:$0xF000] =	vst v63  }
0x37: {  	s23 =	rddreg [dreg:$0x6];
	s24 =	simm.s32 $0x4000  }
0x38: {  	[tilespmem:s24], [sflag:$0x3] =	stream.linear.gather [hbm4b:s23+s4], $0x2000, $0x38;
	[tilespmem:$0xF000] =	vst v63  }
0x39: {  	s25 =	rddreg [dreg:$0x7];
	s26 =	simm.s32 $0x6000  }
0x3a: {  	[tilespmem:s26], [sflag:$0x4] =	stream.linear.gather [hbm4b:s25+s4], $0x2000, $0x38;
	[tilespmem:$0xF000] =	vst v63  }
0x3b: {  	s28 =	rddreg [dreg:$0x8];
	s29 =	simm.s32 $0x8000  }
0x3c: {  	[tilespmem:s29], [sflag:$0x5] =	stream.linear.gather [hbm4b:s28+s4], $0x2000, $0x38;
	[tilespmem:$0xF000] =	vst v63  }
0x3d: {  	s30 =	rddreg [dreg:$0x9];
	s31 =	simm.s32 $0xA000;
	s23 =	simm.s32 $0x0  }
0x3e: {  	[tilespmem:s31], [sflag:$0x6] =	stream.linear.gather [hbm4b:s30+s4], $0x2000, $0x38;
	[tilespmem:$0xF000] =	vst v63  }
.LBB2_2:
0x3f: {  	s0 =	simm.s32 $0x1  }
0x40: {  	_ =	swait.ge [sflag:s0], $0x2000  }
0x41: {  	p1 =	seq.s32 s23, $0x0;
	[sflag:s0] =	ssyncset.done $0x0  }
0x42: {  	s11 =	simm.s32 $0x0;
	[sflag:s0] =	ssyncadd.s32 $0xFFFFE000;
	s0 =	simm.s32 @!p1 $0x7  }
0x43: {  	s6 =	simm.s32 $0x0;
	s5 =	sand.u32 $0x40, s11;
	_ =	swait.ge @!p1 [sflag:s0], $0x800  }
0x44: {  	s6 =	sand.u32 $0x3FFFFC00, s6;
	s8 =	sor.u32 $0x30, s5;
	[sflag:s0] =	ssyncset.done @!p1 $0x0  }
0x45: {  	s10 =	sor.u32 s8, s6;
	[sflag:s0] =	ssyncadd.s32 @!p1 $0xFFFFF800  }
0x46: {  	v0 =	vld [tilespmem:s10+$0x0]  }
0x47: {  	s12 =	sor.u32 s5, s6;
	v1 =	vld [tilespmem:s10+$0x80]  }
0x48: {  	v3 =	vld [tilespmem:s12+$0x0]  }
0x49: {  	s13 =	sor.u32 $0x10, s5;
	v4 =	vld [tilespmem:s10+$0x100]  }
0x4a: {  	s0 =	sor.u32 s13, s6;
	v5 =	vld [tilespmem:s12+$0x80]  }
0x4b: {  	s14 =	sor.u32 $0x20, s5;
	v8 =	vld [tilespmem:s0+$0x0]  }
0x4c: {  	s29 =	sor.u32 s14, s6;
	v9 =	vld [tilespmem:s0+$0x80]  }
0x4d: {  	v10 =	vld [tilespmem:s29+$0x0]  }
0x4e: {  	v11 =	vld [tilespmem:s29+$0x80]  }
0x4f: {  	v12 =	vld [tilespmem:s10+$0x180]  }
0x50: {  	v13 =	vld [tilespmem:s10+$0x200]  }
0x51: {  	s30 =	simm.s32 $0x0;
	v7 =	vld [tilespmem:s12+$0x100];
	v0 =	vmul.f32 v1, v0  }
0x52: {  	s6 =	smul.u32 $0x6, s23;
	s10 =	sand.u32 $0x3FFFFF00, s30;
	v2 =	vld [tilespmem:s12+$0x180]  }
0x53: {  	s1 =	rddreg [dreg:$0x3];
	s15 =	sadd.s32 $0xC000, s10;
	v0 =	vmul.f32 v4, v0;
	v4 =	vld [tilespmem:s12+$0x200]  }
0x54: {  	s25 =	simm.s32 $0x0;
	s31 =	sadd.s32 s1, s6;
	s10 =	sor.u32 s8, s15;
	v6 =	vmul.f32 v5, v3;
	v1 =	vmul.f32 v9, v8;
	v5 =	vld [tilespmem:s0+$0x100]  }
0x55: {  	s5 =	sor.u32 s5, s15;
	s8 =	sor.u32 s13, s15;
	s28 =	sor.u32 s14, s15;
	v3 =	vld [tilespmem:s0+$0x180];
	v8 =	vmul.f32 v13, v12;
	[tilespmem:s10+$0x0] =	vst v0;
	v0 =	vmul.f32 v11, v10  }
.LBB2_3:
0x56: {  	s25 =	sadd.s32 $0x4, s25;
	v6 =	vmul.f32 v7, v6;
	v7 =	vld [tilespmem:s0+$0x200];
	s11 =	sadd.s32 $0x40, s11  }
0x57: {  	s12 =	sand.u32 $0x40, s11;
	s0 =	sshll.u32 s25, $0x7;
	p0 =	slt.u32 s25, $0x3C;
	v9 =	vld [tilespmem:s29+$0x100];
	[tilespmem:s10+$0x80] =	vst v8  }
0x58: {  	s10 =	sand.u32 $0x3FFFFC00, s0;
	s13 =	sor.u32 $0x10, s12;
	s14 =	sor.u32 $0x30, s12;
	[tilespmem:s5+$0x0] =	vst v6;
	v2 =	vmul.f32 v4, v2;
	v4 =	vld [tilespmem:s29+$0x180]  }
0x59: {  	s16 =	sor.u32 $0x20, s12;
	s15 =	sor.u32 s12, s10;
	s17 =	sor.u32 s14, s10;
	v1 =	vmul.f32 v5, v1;
	v5 =	vld [tilespmem:s29+$0x200]  }
0x5a: {  	s0 =	sor.u32 s13, s10;
	s29 =	sor.u32 s16, s10;
	v6 =	vld [tilespmem:s17+$0x0];
	[tilespmem:s5+$0x80] =	vst v2  }
0x5b: {  	v2 =	vld [tilespmem:s17+$0x80];
	[tilespmem:s8+$0x0] =	vst v1;
	v1 =	vmul.f32 v7, v3  }
0x5c: {  	v3 =	vld [tilespmem:s15+$0x0];
	v0 =	vmul.f32 v9, v0  }
0x5d: {  	v7 =	vld [tilespmem:s17+$0x100];
	[tilespmem:s8+$0x80] =	vst v1  }
0x5e: {  	v1 =	vld [tilespmem:s15+$0x80];
	[tilespmem:s28+$0x0] =	vst v0;
	v0 =	vmul.f32 v5, v4  }
0x5f: {  	v4 =	vld [tilespmem:s0+$0x0]  }
0x60: {  	s5 =	sshll.u32 s25, $0x5;
	v5 =	vld [tilespmem:s0+$0x80];
	v2 =	vmul.f32 v2, v6;
	[tilespmem:s28+$0x80] =	vst v0  }
0x61: {  	s5 =	sand.u32 $0x3FFFFF00, s5;
	v0 =	vld [tilespmem:s29+$0x0]  }
0x62: {  	s18 =	sadd.s32 $0xC000, s5;
	v8 =	vld [tilespmem:s29+$0x80];
	v2 =	vmul.f32 v7, v2  }
0x63: {  	s5 =	sor.u32 s12, s18;
	s8 =	sor.u32 s13, s18;
	s10 =	sor.u32 s14, s18;
	v6 =	vmul.f32 v1, v3;
	v9 =	vld [tilespmem:s17+$0x180]  }
0x64: {  	s28 =	sor.u32 s16, s18;
	v10 =	vld [tilespmem:s17+$0x200];
	[tilespmem:s10+$0x0] =	vst v2  }
.Ltmp2:
0x65: {  	v7 =	vld [tilespmem:s15+$0x100];
	v1 =	vmul.f32 v5, v4;
	(pc) =	sbr.rel @p0 .LBB2_3-.Ltmp2, $4  }
0x66: {  	v2 =	vld [tilespmem:s15+$0x180]  }
0x67: {  	v4 =	vld [tilespmem:s15+$0x200];
	v0 =	vmul.f32 v8, v0  }
0x68: {  	v5 =	vld [tilespmem:s0+$0x100]  }
0x69: {  	v3 =	vld [tilespmem:s0+$0x180];
	v8 =	vmul.f32 v10, v9  }
0x6a: {  	v9 =	vld [tilespmem:s0+$0x200]  }
0x6b: {  	v10 =	vld [tilespmem:s29+$0x100]  }
0x6c: {  	v11 =	vld [tilespmem:s29+$0x180]  }
0x6d: {  	v6 =	vmul.f32 v7, v6;
	v7 =	vld [tilespmem:s29+$0x200]  }
0x6e: {  	[tilespmem:s10+$0x80] =	vst v8;
	v2 =	vmul.f32 v4, v2  }
0x6f: {  	[tilespmem:s5+$0x0] =	vst v6;
	v1 =	vmul.f32 v5, v1  }
0x70: {  	[tilespmem:s5+$0x80] =	vst v2;
	v2 =	vmul.f32 v9, v3  }
0x71: {  	[tilespmem:s8+$0x0] =	vst v1;
	v0 =	vmul.f32 v10, v0  }
0x72: {  	v1 =	vmul.f32 v7, v11;
	[tilespmem:s8+$0x80] =	vst v2  }
0x73: {  	s19 =	sshll.u32 s31, $0x8;
	[tilespmem:s28+$0x0] =	vst v0  }
0x74: {  	s1 =	simm.s32 $0xC000;
	s0 =	sadd.s32 s3, s19;
	[tilespmem:s28+$0x80] =	vst v1  }
0x75: {  	[hbm4b:s0+s4] =	stream.linear.scatter [tilespmem:s1], [sflag:$0x7], $0x800, $0x38;
	[tilespmem:$0xF000] =	vst v63  }
0x76: {  	p0 =	seq.s32 s23, $0x20;
	s0 =	rddreg [dreg:$0xa]  }
0x77: {  	s0 =	sadd.s32 @!p0 s6, s0  }
0x78: {  	p2 =	slt.s32 @!p0 s0, $0x1869  }
0x79: {  	p2 =	por !p2, p0  }
0x7a: {  	s0 =	simm.s32 @p2 $0x1869  }
0x7b: {  	s0 =	sshll.u32 @!p0 s0, $0xA  }
0x7c: {  	s20 =	simm.s32 $0x2;
	s5 =	simm.s32 @!p0 $0x0;
	s0 =	sadd.s32 @!p0 s2, s0  }
0x7d: {  	[tilespmem:s5], [sflag:$0x1] =	stream.linear.gather @!p0 [hbm4b:s0+s5], $0x2000, $0x38;
	[tilespmem:$0xF000] =	vst v63  }
0x7e: {  	_ =	swait.ge [sflag:s20], $0x2000  }
0x7f: {  	s11 =	simm.s32 $0x0;
	[sflag:s20] =	ssyncset.done $0x0  }
0x80: {  	s21 =	simm.s32 $0x0;
	s0 =	simm.s32 @!p1 $0x8;
	[sflag:s20] =	ssyncadd.s32 $0xFFFFE000  }
0x81: {  	s10 =	sand.u32 $0x40, s11;
	s5 =	sand.u32 $0x3FFFFC00, s21;
	_ =	swait.ge @!p1 [sflag:s0], $0x800  }
0x82: {  	s15 =	sor.u32 $0x30, s10;
	s22 =	sadd.s32 $0x2000, s5;
	[sflag:s0] =	ssyncset.done @!p1 $0x0  }
0x83: {  	s24 =	sadd.s32 $0x2080, s5;
	s12 =	sor.u32 s15, s22;
	[sflag:s0] =	ssyncadd.s32 @!p1 $0xFFFFF800  }
0x84: {  	s16 =	sadd.s32 $0x2100, s5;
	s25 =	sor.u32 s15, s24;
	v0 =	vld [tilespmem:s12+$0x0]  }
0x85: {  	s17 =	sadd.s32 $0x2180, s5;
	s26 =	sor.u32 s15, s16;
	v1 =	vld [tilespmem:s25+$0x0]  }
0x86: {  	s5 =	sadd.s32 $0x2200, s5;
	s30 =	sor.u32 s15, s17;
	v2 =	vld [tilespmem:s26+$0x0]  }
0x87: {  	s1 =	sor.u32 s15, s5;
	v4 =	vld [tilespmem:s30+$0x0]  }
0x88: {  	s18 =	sor.u32 $0x10, s10;
	s13 =	sor.u32 s10, s22;
	v5 =	vld [tilespmem:s1+$0x0]  }
0x89: {  	s19 =	sor.u32 $0x20, s10;
	s7 =	sor.u32 s10, s24;
	s9 =	sor.u32 s18, s22;
	v6 =	vld [tilespmem:s13+$0x0]  }
0x8a: {  	s14 =	sor.u32 s18, s24;
	s8 =	sor.u32 s19, s22;
	s20 =	simm.s32 $0x0;
	v7 =	vld [tilespmem:s7+$0x0]  }
0x8b: {  	s28 =	sor.u32 s10, s17;
	s29 =	sor.u32 s10, s5;
	s20 =	sand.u32 $0x3FFFFF00, s20;
	v8 =	vld [tilespmem:s9+$0x0];
	v3 =	vmul.f32 v1, v0  }
0x8c: {  	s31 =	sor.u32 s18, s16;
	s22 =	sor.u32 s19, s17;
	s21 =	sadd.s32 $0xC800, s20;
	v62 =	vld [tilespmem:s14+$0x0]  }
0x8d: {  	s0 =	sor.u32 s19, s24;
	s24 =	sadd.s32 $0xC880, s20;
	s25 =	sor.u32 s10, s16;
	v0 =	vld [tilespmem:s8+$0x0];
	v63 =	vmul.f32 v2, v3  }
0x8e: {  	s14 =	sor.u32 s18, s17;
	s13 =	sor.u32 s18, s5;
	s26 =	sor.u32 s15, s21;
	v1 =	vld [tilespmem:s0+$0x0];
	v5 =	vmul.f32 v5, v4  }
0x8f: {  	s12 =	sor.u32 s19, s16;
	s17 =	sor.u32 s10, s21;
	s15 =	sor.u32 s15, s24;
	v3 =	vld [tilespmem:s25+$0x0];
	[tilespmem:s26+$0x0] =	vst v63  }
0x90: {  	s8 =	sor.u32 s19, s5;
	s5 =	sor.u32 s10, s24;
	s10 =	sor.u32 s18, s21;
	v4 =	vld [tilespmem:s29+$0x0];
	[tilespmem:s15+$0x0] =	vst v5  }
0x91: {  	s0 =	sor.u32 s19, s24;
	v2 =	vld [tilespmem:s28+$0x0];
	s28 =	sor.u32 s18, s24;
	s30 =	rddreg [dreg:$0xb]  }
0x92: {  	v7 =	vmul.f32 v7, v6;
	v6 =	vmul.f32 v62, v8;
	s25 =	sor.u32 s19, s21;
	v5 =	vld [tilespmem:s31+$0x0];
	s31 =	simm.s32 $0x0;
	s29 =	sadd.s32 s6, s30  }
.LBB2_5:
0x93: {  	s31 =	sadd.s32 $0x4, s31;
	v8 =	vld [tilespmem:s14+$0x0];
	v0 =	vmul.f32 v1, v0  }
0x94: {  	s11 =	sadd.s32 $0x40, s11;
	s14 =	sshll.u32 s31, $0x7;
	v1 =	vmul.f32 v3, v7;
	v3 =	vld [tilespmem:s13+$0x0]  }
0x95: {  	s16 =	sand.u32 $0x40, s11;
	p2 =	slt.u32 s31, $0x3C;
	s13 =	sand.u32 $0x3FFFFC00, s14;
	v7 =	vld [tilespmem:s12+$0x0]  }
0x96: {  	s15 =	sor.u32 $0x10, s16;
	s19 =	sor.u32 $0x30, s16;
	s12 =	sadd.s32 $0x2000, s13;
	[tilespmem:s17+$0x0] =	vst v1;
	v1 =	vmul.f32 v4, v2;
	v2 =	vld [tilespmem:s22+$0x0]  }
0x97: {  	s18 =	sor.u32 $0x20, s16;
	s14 =	sadd.s32 $0x2080, s13;
	s17 =	sor.u32 s19, s12;
	v4 =	vmul.f32 v5, v6;
	v5 =	vld [tilespmem:s8+$0x0]  }
0x98: {  	s20 =	sadd.s32 $0x2100, s13;
	s8 =	sor.u32 s16, s12;
	v6 =	vld [tilespmem:s17+$0x0];
	s17 =	sor.u32 s19, s14;
	[tilespmem:s5+$0x0] =	vst v1  }
0x99: {  	s22 =	sadd.s32 $0x2180, s13;
	s5 =	sor.u32 s16, s14;
	v1 =	vld [tilespmem:s17+$0x0];
	s17 =	sor.u32 s19, s20;
	[tilespmem:s10+$0x0] =	vst v4;
	v3 =	vmul.f32 v3, v8  }
0x9a: {  	s21 =	sor.u32 s15, s12;
	s10 =	sadd.s32 $0x2200, s13;
	s13 =	sor.u32 s19, s22;
	v4 =	vld [tilespmem:s17+$0x0];
	v0 =	vmul.f32 v7, v0  }
0x9b: {  	s30 =	sor.u32 s18, s12;
	s17 =	sor.u32 s15, s14;
	s12 =	sor.u32 s19, s10;
	v7 =	vld [tilespmem:s13+$0x0];
	[tilespmem:s28+$0x0] =	vst v3  }
0x9c: {  	s1 =	sor.u32 s16, s22;
	s24 =	sor.u32 s18, s14;
	s28 =	sor.u32 s16, s20;
	v3 =	vld [tilespmem:s12+$0x0];
	[tilespmem:s25+$0x0] =	vst v0;
	v0 =	vmul.f32 v5, v2  }
0x9d: {  	s7 =	sor.u32 s15, s20;
	s26 =	sor.u32 s16, s10;
	s14 =	sor.u32 s15, s22;
	v2 =	vld [tilespmem:s8+$0x0]  }
0x9e: {  	s13 =	sor.u32 s15, s10;
	s12 =	sor.u32 s18, s20;
	v5 =	vld [tilespmem:s5+$0x0];
	s5 =	sshll.u32 s31, $0x5;
	v1 =	vmul.f32 v1, v6;
	[tilespmem:s0+$0x0] =	vst v0  }
0x9f: {  	s22 =	sor.u32 s18, s22;
	s8 =	sor.u32 s18, s10;
	s0 =	sand.u32 $0x3FFFFF00, s5;
	v6 =	vld [tilespmem:s21+$0x0]  }
0xa0: {  	s20 =	sadd.s32 $0xC800, s0;
	v8 =	vld [tilespmem:s17+$0x0];
	v4 =	vmul.f32 v4, v1;
	s0 =	sadd.s32 $0xC880, s0  }
0xa1: {  	s17 =	sor.u32 s16, s20;
	v0 =	vld [tilespmem:s30+$0x0];
	s21 =	sor.u32 s19, s20;
	v9 =	vmul.f32 v3, v7;
	s5 =	sor.u32 s16, s0  }
.Ltmp3:
0xa2: {  	s10 =	sor.u32 s15, s20;
	s16 =	sor.u32 s19, s0;
	v1 =	vld [tilespmem:s24+$0x0];
	[tilespmem:s21+$0x0] =	vst v4;
	(pc) =	sbr.rel @p2 .LBB2_5-.Ltmp3, $4  }
0xa3: {  	s25 =	sor.u32 s18, s20;
	v3 =	vld [tilespmem:s28+$0x0];
	v7 =	vmul.f32 v5, v2;
	s28 =	sor.u32 s15, s0;
	s0 =	sor.u32 s18, s0;
	[tilespmem:s16+$0x0] =	vst v9  }
0xa4: {  	v2 =	vld [tilespmem:s1+$0x0]  }
0xa5: {  	v4 =	vld [tilespmem:s26+$0x0];
	v6 =	vmul.f32 v8, v6  }
0xa6: {  	v5 =	vld [tilespmem:s7+$0x0]  }
0xa7: {  	v8 =	vld [tilespmem:s14+$0x0]  }
0xa8: {  	v9 =	vld [tilespmem:s13+$0x0]  }
0xa9: {  	v10 =	vld [tilespmem:s12+$0x0]  }
0xaa: {  	v11 =	vld [tilespmem:s22+$0x0]  }
0xab: {  	v3 =	vmul.f32 v3, v7;
	v7 =	vld [tilespmem:s8+$0x0]  }
0xac: {  	v2 =	vmul.f32 v4, v2  }
0xad: {  	v0 =	vmul.f32 v1, v0;
	[tilespmem:s17+$0x0] =	vst v3;
	v1 =	vmul.f32 v5, v6  }
0xae: {  	[tilespmem:s5+$0x0] =	vst v2;
	v2 =	vmul.f32 v9, v8  }
0xaf: {  	v0 =	vmul.f32 v10, v0;
	[tilespmem:s10+$0x0] =	vst v1  }
0xb0: {  	v1 =	vmul.f32 v7, v11;
	[tilespmem:s28+$0x0] =	vst v2  }
0xb1: {  	s1 =	sshll.u32 s29, $0x8;
	[tilespmem:s25+$0x0] =	vst v0  }
0xb2: {  	s22 =	simm.s32 $0xC800;
	s21 =	sadd.s32 s3, s1;
	[tilespmem:s0+$0x0] =	vst v1  }
0xb3: {  	[hbm4b:s21+s4] =	stream.linear.scatter [tilespmem:s22], [sflag:$0x8], $0x800, $0x38;
	[tilespmem:$0xF000] =	vst v63  }
0xb4: {  	s0 =	rddreg [dreg:$0xc]  }
0xb5: {  	s0 =	sadd.s32 @!p0 s6, s0  }
0xb6: {  	p2 =	slt.s32 @!p0 s0, $0x1869  }
0xb7: {  	p2 =	por !p2, p0  }
0xb8: {  	s0 =	simm.s32 @p2 $0x1869  }
0xb9: {  	s24 =	simm.s32 $0x3;
	s0 =	sshll.u32 @!p0 s0, $0xA  }
0xba: {  	s1 =	simm.s32 @!p0 $0x0;
	s5 =	simm.s32 @!p0 $0x2000;
	s0 =	sadd.s32 @!p0 s2, s0  }
0xbb: {  	[tilespmem:s5], [sflag:$0x2] =	stream.linear.gather @!p0 [hbm4b:s0+s1], $0x2000, $0x38;
	[tilespmem:$0xF000] =	vst v63  }
0xbc: {  	_ =	swait.ge [sflag:s24], $0x2000  }
0xbd: {  	s11 =	simm.s32 $0x0;
	[sflag:s24] =	ssyncset.done $0x0  }
0xbe: {  	s25 =	simm.s32 $0x0;
	s0 =	simm.s32 @!p1 $0x9;
	[sflag:s24] =	ssyncadd.s32 $0xFFFFE000  }
0xbf: {  	s7 =	sand.u32 $0x40, s11;
	s1 =	sand.u32 $0x3FFFFC00, s25;
	_ =	swait.ge @!p1 [sflag:s0], $0x800  }
0xc0: {  	s15 =	sor.u32 $0x30, s7;
	s26 =	sadd.s32 $0x4000, s1;
	[sflag:s0] =	ssyncset.done @!p1 $0x0  }
0xc1: {  	s10 =	sadd.s32 $0x4080, s1;
	s13 =	sor.u32 s15, s26;
	[sflag:s0] =	ssyncadd.s32 @!p1 $0xFFFFF800  }
0xc2: {  	s14 =	sadd.s32 $0x4100, s1;
	s30 =	sor.u32 s15, s10;
	v0 =	vld [tilespmem:s13+$0x0]  }
0xc3: {  	s9 =	sadd.s32 $0x4180, s1;
	s16 =	sor.u32 s15, s14;
	v1 =	vld [tilespmem:s30+$0x0]  }
0xc4: {  	s1 =	sadd.s32 $0x4200, s1;
	s17 =	sor.u32 s15, s9;
	v2 =	vld [tilespmem:s16+$0x0]  }
0xc5: {  	s18 =	sor.u32 s15, s1;
	v4 =	vld [tilespmem:s17+$0x0]  }
0xc6: {  	s31 =	simm.s32 $0x0;
	s19 =	sor.u32 s7, s26;
	v5 =	vld [tilespmem:s18+$0x0]  }
0xc7: {  	s20 =	sor.u32 s7, s10;
	s16 =	sor.u32 $0x10, s7;
	s18 =	sor.u32 $0x20, s7;
	v6 =	vld [tilespmem:s19+$0x0]  }
0xc8: {  	v7 =	vld [tilespmem:s20+$0x0];
	s19 =	sor.u32 s7, s14;
	s20 =	sor.u32 s7, s9;
	s21 =	sor.u32 s16, s26  }
0xc9: {  	s22 =	sor.u32 s16, s10;
	s25 =	sor.u32 s18, s26;
	s26 =	simm.s32 $0x0;
	v8 =	vld [tilespmem:s21+$0x0];
	v3 =	vmul.f32 v1, v0  }
0xca: {  	s0 =	sor.u32 s18, s10;
	s24 =	sor.u32 s16, s14;
	v62 =	vld [tilespmem:s22+$0x0];
	s30 =	sand.u32 $0x3FFFFF00, s26  }
0xcb: {  	s5 =	sor.u32 s16, s9;
	s13 =	sor.u32 s16, s1;
	s26 =	sadd.s32 $0xD000, s30;
	v0 =	vld [tilespmem:s25+$0x0];
	v63 =	vmul.f32 v2, v3  }
0xcc: {  	s22 =	sor.u32 s18, s9;
	s9 =	sadd.s32 $0xD080, s30;
	v1 =	vld [tilespmem:s0+$0x0];
	s25 =	sor.u32 s15, s26;
	v5 =	vmul.f32 v5, v4  }
0xcd: {  	s12 =	sor.u32 s18, s14;
	s21 =	sor.u32 s7, s1;
	s30 =	sor.u32 s15, s9;
	v3 =	vld [tilespmem:s19+$0x0];
	[tilespmem:s25+$0x0] =	vst v63  }
0xce: {  	s8 =	sor.u32 s18, s1;
	s17 =	sor.u32 s7, s26;
	s14 =	sor.u32 s7, s9;
	v4 =	vld [tilespmem:s21+$0x0];
	[tilespmem:s30+$0x0] =	vst v5  }
0xcf: {  	s10 =	sor.u32 s16, s26;
	s28 =	sor.u32 s16, s9;
	v2 =	vld [tilespmem:s20+$0x0];
	s1 =	rddreg [dreg:$0xd]  }
0xd0: {  	s0 =	sor.u32 s18, s9;
	v7 =	vmul.f32 v7, v6;
	v6 =	vld [tilespmem:s24+$0x0];
	s25 =	sor.u32 s18, s26;
	v5 =	vmul.f32 v62, v8;
	s29 =	sadd.s32 s6, s1  }
.LBB2_7:
0xd1: {  	s31 =	sadd.s32 $0x4, s31;
	v8 =	vld [tilespmem:s5+$0x0];
	v0 =	vmul.f32 v1, v0  }
0xd2: {  	s11 =	sadd.s32 $0x40, s11;
	s1 =	sshll.u32 s31, $0x7;
	v1 =	vmul.f32 v3, v7;
	v3 =	vld [tilespmem:s13+$0x0]  }
0xd3: {  	s16 =	sand.u32 $0x40, s11;
	p2 =	slt.u32 s31, $0x3C;
	s1 =	sand.u32 $0x3FFFFC00, s1;
	v7 =	vld [tilespmem:s12+$0x0]  }
0xd4: {  	s15 =	sor.u32 $0x10, s16;
	s19 =	sor.u32 $0x30, s16;
	s5 =	sadd.s32 $0x4000, s1;
	[tilespmem:s17+$0x0] =	vst v1;
	v1 =	vmul.f32 v4, v2;
	v2 =	vld [tilespmem:s22+$0x0]  }
0xd5: {  	s18 =	sor.u32 $0x20, s16;
	s7 =	sadd.s32 $0x4080, s1;
	s12 =	sor.u32 s19, s5;
	v4 =	vmul.f32 v6, v5;
	v5 =	vld [tilespmem:s8+$0x0]  }
0xd6: {  	s17 =	sadd.s32 $0x4100, s1;
	s8 =	sor.u32 s16, s5;
	v6 =	vld [tilespmem:s12+$0x0];
	s12 =	sor.u32 s19, s7;
	[tilespmem:s14+$0x0] =	vst v1  }
0xd7: {  	s13 =	sor.u32 s16, s7;
	s14 =	sadd.s32 $0x4180, s1;
	v1 =	vld [tilespmem:s12+$0x0];
	s12 =	sor.u32 s19, s17;
	[tilespmem:s10+$0x0] =	vst v4;
	v3 =	vmul.f32 v3, v8  }
0xd8: {  	s1 =	sadd.s32 $0x4200, s1;
	s10 =	sor.u32 s15, s5;
	v4 =	vld [tilespmem:s12+$0x0];
	s12 =	sor.u32 s19, s14;
	v0 =	vmul.f32 v7, v0  }
0xd9: {  	s20 =	sor.u32 s15, s7;
	s21 =	sor.u32 s18, s5;
	s5 =	sor.u32 s19, s1;
	v7 =	vld [tilespmem:s12+$0x0];
	[tilespmem:s28+$0x0] =	vst v3  }
0xda: {  	s24 =	sor.u32 s16, s17;
	s7 =	sor.u32 s18, s7;
	s26 =	sor.u32 s16, s14;
	v3 =	vld [tilespmem:s5+$0x0];
	[tilespmem:s25+$0x0] =	vst v0;
	v0 =	vmul.f32 v5, v2  }
0xdb: {  	s9 =	sor.u32 s15, s17;
	s30 =	sor.u32 s16, s1;
	s5 =	sor.u32 s15, s14;
	v2 =	vld [tilespmem:s8+$0x0]  }
0xdc: {  	s12 =	sor.u32 s18, s17;
	s8 =	sshll.u32 s31, $0x5;
	v5 =	vld [tilespmem:s13+$0x0];
	s13 =	sor.u32 s15, s1;
	v1 =	vmul.f32 v1, v6;
	[tilespmem:s0+$0x0] =	vst v0  }
0xdd: {  	s22 =	sor.u32 s18, s14;
	s0 =	sand.u32 $0x3FFFFF00, s8;
	s8 =	sor.u32 s18, s1;
	v6 =	vld [tilespmem:s10+$0x0]  }
0xde: {  	s1 =	sadd.s32 $0xD000, s0;
	s0 =	sadd.s32 $0xD080, s0;
	v8 =	vld [tilespmem:s20+$0x0];
	v4 =	vmul.f32 v4, v1  }
0xdf: {  	s17 =	sor.u32 s16, s1;
	s20 =	sor.u32 s19, s1;
	s14 =	sor.u32 s16, s0;
	v0 =	vld [tilespmem:s21+$0x0];
	v9 =	vmul.f32 v3, v7  }
.Ltmp4:
0xe0: {  	s10 =	sor.u32 s15, s1;
	v1 =	vld [tilespmem:s7+$0x0];
	[tilespmem:s20+$0x0] =	vst v4;
	s7 =	sor.u32 s19, s0;
	(pc) =	sbr.rel @p2 .LBB2_7-.Ltmp4, $4  }
0xe1: {  	s28 =	sor.u32 s15, s0;
	s25 =	sor.u32 s18, s1;
	s0 =	sor.u32 s18, s0;
	v3 =	vld [tilespmem:s24+$0x0];
	v7 =	vmul.f32 v5, v2;
	[tilespmem:s7+$0x0] =	vst v9  }
0xe2: {  	v2 =	vld [tilespmem:s26+$0x0]  }
0xe3: {  	v4 =	vld [tilespmem:s30+$0x0];
	v5 =	vmul.f32 v8, v6  }
0xe4: {  	v6 =	vld [tilespmem:s9+$0x0]  }
0xe5: {  	v8 =	vld [tilespmem:s5+$0x0]  }
0xe6: {  	v9 =	vld [tilespmem:s13+$0x0]  }
0xe7: {  	v10 =	vld [tilespmem:s12+$0x0]  }
0xe8: {  	v11 =	vld [tilespmem:s22+$0x0]  }
0xe9: {  	v3 =	vmul.f32 v3, v7;
	v7 =	vld [tilespmem:s8+$0x0]  }
0xea: {  	v2 =	vmul.f32 v4, v2  }
0xeb: {  	v0 =	vmul.f32 v1, v0;
	[tilespmem:s17+$0x0] =	vst v3;
	v1 =	vmul.f32 v6, v5  }
0xec: {  	[tilespmem:s14+$0x0] =	vst v2;
	v2 =	vmul.f32 v9, v8  }
0xed: {  	v0 =	vmul.f32 v10, v0;
	[tilespmem:s10+$0x0] =	vst v1  }
0xee: {  	v1 =	vmul.f32 v7, v11;
	[tilespmem:s28+$0x0] =	vst v2  }
0xef: {  	s1 =	sshll.u32 s29, $0x8;
	[tilespmem:s25+$0x0] =	vst v0  }
0xf0: {  	s24 =	simm.s32 $0xD000;
	s22 =	sadd.s32 s3, s1;
	[tilespmem:s0+$0x0] =	vst v1  }
0xf1: {  	[hbm4b:s22+s4] =	stream.linear.scatter [tilespmem:s24], [sflag:$0x9], $0x800, $0x38;
	[tilespmem:$0xF000] =	vst v63  }
0xf2: {  	s0 =	rddreg [dreg:$0xe]  }
0xf3: {  	s0 =	sadd.s32 @!p0 s6, s0  }
0xf4: {  	p2 =	slt.s32 @!p0 s0, $0x1869  }
0xf5: {  	p2 =	por !p2, p0  }
0xf6: {  	s0 =	simm.s32 @p2 $0x1869  }
0xf7: {  	s5 =	simm.s32 @!p0 $0x4000;
	s0 =	sshll.u32 @!p0 s0, $0xA  }
0xf8: {  	s1 =	simm.s32 @!p0 $0x0;
	s25 =	simm.s32 $0x4;
	s0 =	sadd.s32 @!p0 s2, s0  }
0xf9: {  	[tilespmem:s5], [sflag:$0x3] =	stream.linear.gather @!p0 [hbm4b:s0+s1], $0x2000, $0x38;
	[tilespmem:$0xF000] =	vst v63  }
0xfa: {  	_ =	swait.ge [sflag:s25], $0x2000  }
0xfb: {  	s11 =	simm.s32 $0x0;
	[sflag:s25] =	ssyncset.done $0x0  }
0xfc: {  	s26 =	simm.s32 $0x0;
	s0 =	simm.s32 @!p1 $0xA;
	[sflag:s25] =	ssyncadd.s32 $0xFFFFE000  }
0xfd: {  	s7 =	sand.u32 $0x40, s11;
	s1 =	sand.u32 $0x3FFFFC00, s26;
	_ =	swait.ge @!p1 [sflag:s0], $0x800  }
0xfe: {  	s9 =	sor.u32 $0x30, s7;
	s30 =	sadd.s32 $0x6000, s1;
	[sflag:s0] =	ssyncset.done @!p1 $0x0  }
0xff: {  	s13 =	sadd.s32 $0x6080, s1;
	s17 =	sor.u32 s9, s30;
	[sflag:s0] =	ssyncadd.s32 @!p1 $0xFFFFF800  }
0x100: {  	s10 =	sadd.s32 $0x6100, s1;
	s18 =	sor.u32 s9, s13;
	v0 =	vld [tilespmem:s17+$0x0]  }
0x101: {  	s14 =	sadd.s32 $0x6180, s1;
	s19 =	sor.u32 s9, s10;
	v1 =	vld [tilespmem:s18+$0x0]  }
0x102: {  	s1 =	sadd.s32 $0x6200, s1;
	s20 =	sor.u32 s9, s14;
	v2 =	vld [tilespmem:s19+$0x0]  }
0x103: {  	s21 =	sor.u32 s9, s1;
	v4 =	vld [tilespmem:s20+$0x0]  }
0x104: {  	s31 =	simm.s32 $0x0;
	s22 =	sor.u32 s7, s30;
	v5 =	vld [tilespmem:s21+$0x0]  }
0x105: {  	s15 =	sor.u32 $0x10, s7;
	s16 =	sor.u32 $0x20, s7;
	s24 =	sor.u32 s7, s13;
	v6 =	vld [tilespmem:s22+$0x0]  }
0x106: {  	s26 =	sor.u32 s15, s13;
	s5 =	sor.u32 s15, s14;
	s25 =	sor.u32 s15, s30;
	v7 =	vld [tilespmem:s24+$0x0]  }
0x107: {  	s12 =	sor.u32 s16, s10;
	s8 =	sor.u32 s16, s1;
	v8 =	vld [tilespmem:s25+$0x0];
	s22 =	simm.s32 $0x0;
	v3 =	vmul.f32 v1, v0  }
0x108: {  	s30 =	sor.u32 s16, s30;
	s0 =	sor.u32 s16, s13;
	v62 =	vld [tilespmem:s26+$0x0];
	s24 =	sand.u32 $0x3FFFFF00, s22  }
0x109: {  	s13 =	sor.u32 s15, s1;
	s18 =	sor.u32 s7, s10;
	s25 =	sadd.s32 $0xD800, s24;
	v0 =	vld [tilespmem:s30+$0x0];
	v63 =	vmul.f32 v2, v3  }
0x10a: {  	s19 =	sor.u32 s7, s14;
	s24 =	sadd.s32 $0xD880, s24;
	s26 =	sor.u32 s9, s25;
	v1 =	vld [tilespmem:s0+$0x0];
	v5 =	vmul.f32 v5, v4  }
0x10b: {  	s20 =	sor.u32 s7, s1;
	s21 =	sor.u32 s15, s10;
	s30 =	sor.u32 s9, s24;
	v3 =	vld [tilespmem:s18+$0x0];
	[tilespmem:s26+$0x0] =	vst v63  }
0x10c: {  	s22 =	sor.u32 s16, s14;
	s17 =	sor.u32 s7, s25;
	s14 =	sor.u32 s7, s24;
	v4 =	vld [tilespmem:s20+$0x0];
	[tilespmem:s30+$0x0] =	vst v5  }
0x10d: {  	s10 =	sor.u32 s15, s25;
	s28 =	sor.u32 s15, s24;
	v2 =	vld [tilespmem:s19+$0x0];
	s1 =	rddreg [dreg:$0xf]  }
0x10e: {  	s25 =	sor.u32 s16, s25;
	s0 =	sor.u32 s16, s24;
	v7 =	vmul.f32 v7, v6;
	v6 =	vld [tilespmem:s21+$0x0];
	v5 =	vmul.f32 v62, v8;
	s29 =	sadd.s32 s6, s1  }
.LBB2_9:
0x10f: {  	s31 =	sadd.s32 $0x4, s31;
	v8 =	vld [tilespmem:s5+$0x0];
	v0 =	vmul.f32 v1, v0  }
0x110: {  	s11 =	sadd.s32 $0x40, s11;
	s1 =	sshll.u32 s31, $0x7;
	v1 =	vmul.f32 v3, v7;
	v3 =	vld [tilespmem:s13+$0x0]  }
0x111: {  	s16 =	sand.u32 $0x40, s11;
	p2 =	slt.u32 s31, $0x3C;
	s1 =	sand.u32 $0x3FFFFC00, s1;
	v7 =	vld [tilespmem:s12+$0x0]  }
0x112: {  	s15 =	sor.u32 $0x10, s16;
	s19 =	sor.u32 $0x30, s16;
	s5 =	sadd.s32 $0x6000, s1;
	[tilespmem:s17+$0x0] =	vst v1;
	v1 =	vmul.f32 v4, v2;
	v2 =	vld [tilespmem:s22+$0x0]  }
0x113: {  	s18 =	sor.u32 $0x20, s16;
	s7 =	sadd.s32 $0x6080, s1;
	s9 =	sor.u32 s19, s5;
	v4 =	vmul.f32 v6, v5;
	v5 =	vld [tilespmem:s8+$0x0]  }
0x114: {  	s12 =	sadd.s32 $0x6100, s1;
	s8 =	sor.u32 s16, s5;
	v6 =	vld [tilespmem:s9+$0x0];
	s9 =	sor.u32 s19, s7;
	[tilespmem:s14+$0x0] =	vst v1  }
0x115: {  	s13 =	sor.u32 s16, s7;
	s14 =	sadd.s32 $0x6180, s1;
	v1 =	vld [tilespmem:s9+$0x0];
	s9 =	sor.u32 s19, s12;
	[tilespmem:s10+$0x0] =	vst v4;
	v3 =	vmul.f32 v3, v8  }
0x116: {  	s1 =	sadd.s32 $0x6200, s1;
	s10 =	sor.u32 s15, s5;
	v4 =	vld [tilespmem:s9+$0x0];
	s9 =	sor.u32 s19, s14;
	v0 =	vmul.f32 v7, v0  }
0x117: {  	s17 =	sor.u32 s15, s7;
	s20 =	sor.u32 s18, s5;
	s5 =	sor.u32 s19, s1;
	v7 =	vld [tilespmem:s9+$0x0];
	[tilespmem:s28+$0x0] =	vst v3  }
0x118: {  	s7 =	sor.u32 s18, s7;
	s21 =	sor.u32 s16, s14;
	s9 =	sor.u32 s16, s12;
	v3 =	vld [tilespmem:s5+$0x0];
	[tilespmem:s25+$0x0] =	vst v0;
	v0 =	vmul.f32 v5, v2  }
0x119: {  	s26 =	sor.u32 s15, s12;
	s24 =	sor.u32 s16, s1;
	s5 =	sor.u32 s15, s14;
	v2 =	vld [tilespmem:s8+$0x0]  }
0x11a: {  	s12 =	sor.u32 s18, s12;
	s8 =	sshll.u32 s31, $0x5;
	v5 =	vld [tilespmem:s13+$0x0];
	s13 =	sor.u32 s15, s1;
	v1 =	vmul.f32 v1, v6;
	[tilespmem:s0+$0x0] =	vst v0  }
0x11b: {  	s22 =	sor.u32 s18, s14;
	s0 =	sand.u32 $0x3FFFFF00, s8;
	s8 =	sor.u32 s18, s1;
	v6 =	vld [tilespmem:s10+$0x0]  }
0x11c: {  	s1 =	sadd.s32 $0xD800, s0;
	s0 =	sadd.s32 $0xD880, s0;
	v8 =	vld [tilespmem:s17+$0x0];
	v4 =	vmul.f32 v4, v1  }
0x11d: {  	s17 =	sor.u32 s16, s1;
	s14 =	sor.u32 s16, s0;
	v0 =	vld [tilespmem:s20+$0x0];
	s20 =	sor.u32 s19, s1;
	v9 =	vmul.f32 v3, v7  }
.Ltmp5:
0x11e: {  	s10 =	sor.u32 s15, s1;
	v1 =	vld [tilespmem:s7+$0x0];
	[tilespmem:s20+$0x0] =	vst v4;
	s7 =	sor.u32 s19, s0;
	(pc) =	sbr.rel @p2 .LBB2_9-.Ltmp5, $4  }
0x11f: {  	s28 =	sor.u32 s15, s0;
	s25 =	sor.u32 s18, s1;
	s0 =	sor.u32 s18, s0;
	v3 =	vld [tilespmem:s9+$0x0];
	v7 =	vmul.f32 v5, v2;
	[tilespmem:s7+$0x0] =	vst v9  }
0x120: {  	v2 =	vld [tilespmem:s21+$0x0]  }
0x121: {  	v4 =	vld [tilespmem:s24+$0x0];
	v5 =	vmul.f32 v8, v6  }
0x122: {  	v6 =	vld [tilespmem:s26+$0x0]  }
0x123: {  	v8 =	vld [tilespmem:s5+$0x0]  }
0x124: {  	v9 =	vld [tilespmem:s13+$0x0]  }
0x125: {  	v10 =	vld [tilespmem:s12+$0x0]  }
0x126: {  	v11 =	vld [tilespmem:s22+$0x0]  }
0x127: {  	v3 =	vmul.f32 v3, v7;
	v7 =	vld [tilespmem:s8+$0x0]  }
0x128: {  	v2 =	vmul.f32 v4, v2  }
0x129: {  	v0 =	vmul.f32 v1, v0;
	[tilespmem:s17+$0x0] =	vst v3;
	v1 =	vmul.f32 v6, v5  }
0x12a: {  	[tilespmem:s14+$0x0] =	vst v2;
	v2 =	vmul.f32 v9, v8  }
0x12b: {  	v0 =	vmul.f32 v10, v0;
	[tilespmem:s10+$0x0] =	vst v1  }
0x12c: {  	v1 =	vmul.f32 v7, v11;
	[tilespmem:s28+$0x0] =	vst v2  }
0x12d: {  	s1 =	sshll.u32 s29, $0x8;
	[tilespmem:s25+$0x0] =	vst v0  }
0x12e: {  	s24 =	simm.s32 $0xD800;
	s22 =	sadd.s32 s3, s1;
	[tilespmem:s0+$0x0] =	vst v1  }
0x12f: {  	[hbm4b:s22+s4] =	stream.linear.scatter [tilespmem:s24], [sflag:$0xA], $0x800, $0x38;
	[tilespmem:$0xF000] =	vst v63  }
0x130: {  	s0 =	rddreg [dreg:$0x10]  }
0x131: {  	s0 =	sadd.s32 @!p0 s6, s0  }
0x132: {  	p2 =	slt.s32 @!p0 s0, $0x1869  }
0x133: {  	p2 =	por !p2, p0  }
0x134: {  	s0 =	simm.s32 @p2 $0x1869  }
0x135: {  	s5 =	simm.s32 @!p0 $0x6000;
	s0 =	sshll.u32 @!p0 s0, $0xA  }
0x136: {  	s1 =	simm.s32 @!p0 $0x0;
	s25 =	simm.s32 $0x5;
	s0 =	sadd.s32 @!p0 s2, s0  }
0x137: {  	[tilespmem:s5], [sflag:$0x4] =	stream.linear.gather @!p0 [hbm4b:s0+s1], $0x2000, $0x38;
	[tilespmem:$0xF000] =	vst v63  }
0x138: {  	_ =	swait.ge [sflag:s25], $0x2000  }
0x139: {  	s11 =	simm.s32 $0x0;
	[sflag:s25] =	ssyncset.done $0x0  }
0x13a: {  	s26 =	simm.s32 $0x0;
	s0 =	simm.s32 @!p1 $0xB;
	[sflag:s25] =	ssyncadd.s32 $0xFFFFE000  }
0x13b: {  	s7 =	sand.u32 $0x40, s11;
	s1 =	sand.u32 $0x3FFFFC00, s26;
	_ =	swait.ge @!p1 [sflag:s0], $0x800  }
0x13c: {  	s9 =	sor.u32 $0x30, s7;
	s30 =	sadd.s32 $0x8000, s1;
	[sflag:s0] =	ssyncset.done @!p1 $0x0  }
0x13d: {  	s13 =	sadd.s32 $0x8080, s1;
	s16 =	sor.u32 s9, s30;
	[sflag:s0] =	ssyncadd.s32 @!p1 $0xFFFFF800  }
0x13e: {  	s10 =	sadd.s32 $0x8100, s1;
	s17 =	sor.u32 s9, s13;
	v0 =	vld [tilespmem:s16+$0x0]  }
0x13f: {  	s14 =	sadd.s32 $0x8180, s1;
	s18 =	sor.u32 s9, s10;
	v1 =	vld [tilespmem:s17+$0x0]  }
0x140: {  	s1 =	sadd.s32 $0x8200, s1;
	s19 =	sor.u32 s9, s14;
	v2 =	vld [tilespmem:s18+$0x0]  }
0x141: {  	s31 =	simm.s32 $0x0;
	s21 =	sor.u32 s9, s1;
	v4 =	vld [tilespmem:s19+$0x0]  }
0x142: {  	s15 =	sor.u32 $0x10, s7;
	s22 =	sor.u32 s7, s30;
	s24 =	sor.u32 s7, s13;
	v5 =	vld [tilespmem:s21+$0x0]  }
0x143: {  	s26 =	sor.u32 s15, s13;
	s5 =	sor.u32 s15, s14;
	s20 =	rddreg [dreg:$0x11];
	v6 =	vld [tilespmem:s22+$0x0]  }
0x144: {  	s25 =	sor.u32 s15, s30;
	s29 =	sadd.s32 s6, s20;
	s20 =	sor.u32 s7, s1;
	v7 =	vld [tilespmem:s24+$0x0]  }
0x145: {  	p2 =	slt.s32 s29, $0x1869;
	s16 =	sor.u32 $0x20, s7;
	s18 =	sor.u32 s7, s10;
	v8 =	vld [tilespmem:s25+$0x0]  }
0x146: {  	s19 =	sor.u32 s7, s14;
	s21 =	sor.u32 s15, s10;
	v62 =	vld [tilespmem:s26+$0x0];
	s30 =	sor.u32 s16, s30  }
0x147: {  	s22 =	simm.s32 $0x0;
	s0 =	sor.u32 s16, s13;
	s13 =	sor.u32 s15, s1;
	v3 =	vmul.f32 v1, v0;
	v0 =	vld [tilespmem:s30+$0x0]  }
0x148: {  	s24 =	sand.u32 $0x3FFFFF00, s22;
	s12 =	sor.u32 s16, s10;
	s22 =	sor.u32 s16, s14;
	v1 =	vld [tilespmem:s0+$0x0]  }
0x149: {  	s8 =	sor.u32 s16, s1;
	s29 =	simm.s32 @!p2 $0x1869;
	s25 =	sadd.s32 $0xE000, s24;
	v63 =	vmul.f32 v2, v3;
	v3 =	vld [tilespmem:s18+$0x0]  }
0x14a: {  	s24 =	sadd.s32 $0xE080, s24;
	s17 =	sor.u32 s7, s25;
	s26 =	sor.u32 s9, s25;
	v5 =	vmul.f32 v5, v4;
	v4 =	vld [tilespmem:s20+$0x0]  }
0x14b: {  	s14 =	sor.u32 s7, s24;
	s10 =	sor.u32 s15, s25;
	s30 =	sor.u32 s9, s24;
	v2 =	vld [tilespmem:s19+$0x0];
	[tilespmem:s26+$0x0] =	vst v63  }
0x14c: {  	s28 =	sor.u32 s15, s24;
	s25 =	sor.u32 s16, s25;
	s0 =	sor.u32 s16, s24;
	v7 =	vmul.f32 v7, v6;
	v6 =	vld [tilespmem:s21+$0x0];
	[tilespmem:s30+$0x0] =	vst v5;
	v5 =	vmul.f32 v62, v8  }
.LBB2_11:
0x14d: {  	s31 =	sadd.s32 $0x4, s31;
	v8 =	vld [tilespmem:s5+$0x0];
	v0 =	vmul.f32 v1, v0  }
0x14e: {  	s11 =	sadd.s32 $0x40, s11;
	s1 =	sshll.u32 s31, $0x7;
	v1 =	vmul.f32 v3, v7;
	v3 =	vld [tilespmem:s13+$0x0]  }
0x14f: {  	s16 =	sand.u32 $0x40, s11;
	p2 =	slt.u32 s31, $0x3C;
	s1 =	sand.u32 $0x3FFFFC00, s1;
	v7 =	vld [tilespmem:s12+$0x0]  }
0x150: {  	s15 =	sor.u32 $0x10, s16;
	s19 =	sor.u32 $0x30, s16;
	s5 =	sadd.s32 $0x8000, s1;
	[tilespmem:s17+$0x0] =	vst v1;
	v1 =	vmul.f32 v4, v2;
	v2 =	vld [tilespmem:s22+$0x0]  }
0x151: {  	s18 =	sor.u32 $0x20, s16;
	s7 =	sadd.s32 $0x8080, s1;
	s9 =	sor.u32 s19, s5;
	v4 =	vmul.f32 v6, v5;
	v5 =	vld [tilespmem:s8+$0x0]  }
0x152: {  	s12 =	sadd.s32 $0x8100, s1;
	s8 =	sor.u32 s16, s5;
	v6 =	vld [tilespmem:s9+$0x0];
	s9 =	sor.u32 s19, s7;
	[tilespmem:s14+$0x0] =	vst v1  }
0x153: {  	s13 =	sor.u32 s16, s7;
	s14 =	sadd.s32 $0x8180, s1;
	v1 =	vld [tilespmem:s9+$0x0];
	s9 =	sor.u32 s19, s12;
	[tilespmem:s10+$0x0] =	vst v4;
	v3 =	vmul.f32 v3, v8  }
0x154: {  	s1 =	sadd.s32 $0x8200, s1;
	s10 =	sor.u32 s15, s5;
	v4 =	vld [tilespmem:s9+$0x0];
	s9 =	sor.u32 s19, s14;
	v0 =	vmul.f32 v7, v0  }
0x155: {  	s17 =	sor.u32 s15, s7;
	s20 =	sor.u32 s18, s5;
	s5 =	sor.u32 s19, s1;
	v7 =	vld [tilespmem:s9+$0x0];
	[tilespmem:s28+$0x0] =	vst v3  }
0x156: {  	s7 =	sor.u32 s18, s7;
	s21 =	sor.u32 s16, s14;
	s9 =	sor.u32 s16, s12;
	v3 =	vld [tilespmem:s5+$0x0];
	[tilespmem:s25+$0x0] =	vst v0;
	v0 =	vmul.f32 v5, v2  }
0x157: {  	s26 =	sor.u32 s15, s12;
	s24 =	sor.u32 s16, s1;
	s5 =	sor.u32 s15, s14;
	v2 =	vld [tilespmem:s8+$0x0]  }
0x158: {  	s12 =	sor.u32 s18, s12;
	s8 =	sshll.u32 s31, $0x5;
	v5 =	vld [tilespmem:s13+$0x0];
	s13 =	sor.u32 s15, s1;
	v1 =	vmul.f32 v1, v6;
	[tilespmem:s0+$0x0] =	vst v0  }
0x159: {  	s22 =	sor.u32 s18, s14;
	s0 =	sand.u32 $0x3FFFFF00, s8;
	s8 =	sor.u32 s18, s1;
	v6 =	vld [tilespmem:s10+$0x0]  }
0x15a: {  	s1 =	sadd.s32 $0xE000, s0;
	s0 =	sadd.s32 $0xE080, s0;
	v8 =	vld [tilespmem:s17+$0x0];
	v4 =	vmul.f32 v4, v1  }
0x15b: {  	s17 =	sor.u32 s16, s1;
	s14 =	sor.u32 s16, s0;
	v0 =	vld [tilespmem:s20+$0x0];
	s20 =	sor.u32 s19, s1;
	v9 =	vmul.f32 v3, v7  }
.Ltmp6:
0x15c: {  	s10 =	sor.u32 s15, s1;
	v1 =	vld [tilespmem:s7+$0x0];
	[tilespmem:s20+$0x0] =	vst v4;
	s7 =	sor.u32 s19, s0;
	(pc) =	sbr.rel @p2 .LBB2_11-.Ltmp6, $4  }
0x15d: {  	s28 =	sor.u32 s15, s0;
	s25 =	sor.u32 s18, s1;
	s0 =	sor.u32 s18, s0;
	v3 =	vld [tilespmem:s9+$0x0];
	v7 =	vmul.f32 v5, v2;
	[tilespmem:s7+$0x0] =	vst v9  }
0x15e: {  	v2 =	vld [tilespmem:s21+$0x0]  }
0x15f: {  	v4 =	vld [tilespmem:s24+$0x0];
	v5 =	vmul.f32 v8, v6  }
0x160: {  	v6 =	vld [tilespmem:s26+$0x0]  }
0x161: {  	v8 =	vld [tilespmem:s5+$0x0]  }
0x162: {  	v9 =	vld [tilespmem:s13+$0x0]  }
0x163: {  	v10 =	vld [tilespmem:s12+$0x0]  }
0x164: {  	v11 =	vld [tilespmem:s22+$0x0]  }
0x165: {  	v3 =	vmul.f32 v3, v7;
	v7 =	vld [tilespmem:s8+$0x0]  }
0x166: {  	v2 =	vmul.f32 v4, v2  }
0x167: {  	v0 =	vmul.f32 v1, v0;
	[tilespmem:s17+$0x0] =	vst v3;
	v1 =	vmul.f32 v6, v5  }
0x168: {  	[tilespmem:s14+$0x0] =	vst v2;
	v2 =	vmul.f32 v9, v8  }
0x169: {  	v0 =	vmul.f32 v10, v0;
	[tilespmem:s10+$0x0] =	vst v1  }
0x16a: {  	v1 =	vmul.f32 v7, v11;
	[tilespmem:s28+$0x0] =	vst v2  }
0x16b: {  	s1 =	sshll.u32 s29, $0x8;
	[tilespmem:s25+$0x0] =	vst v0  }
0x16c: {  	s24 =	simm.s32 $0xE000;
	s22 =	sadd.s32 s3, s1;
	[tilespmem:s0+$0x0] =	vst v1  }
0x16d: {  	[hbm4b:s22+s4] =	stream.linear.scatter [tilespmem:s24], [sflag:$0xB], $0x800, $0x38;
	[tilespmem:$0xF000] =	vst v63  }
0x16e: {  	s0 =	rddreg [dreg:$0x12]  }
0x16f: {  	s0 =	sadd.s32 @!p0 s6, s0  }
0x170: {  	p2 =	slt.s32 @!p0 s0, $0x1869  }
0x171: {  	p2 =	por !p2, p0  }
0x172: {  	s0 =	simm.s32 @p2 $0x1869  }
0x173: {  	s5 =	simm.s32 @!p0 $0x8000;
	s0 =	sshll.u32 @!p0 s0, $0xA  }
0x174: {  	s1 =	simm.s32 @!p0 $0x0;
	s25 =	simm.s32 $0x6;
	s0 =	sadd.s32 @!p0 s2, s0  }
0x175: {  	[tilespmem:s5], [sflag:$0x5] =	stream.linear.gather @!p0 [hbm4b:s0+s1], $0x2000, $0x38;
	[tilespmem:$0xF000] =	vst v63  }
0x176: {  	_ =	swait.ge [sflag:s25], $0x2000  }
0x177: {  	s11 =	simm.s32 $0x0;
	[sflag:s25] =	ssyncset.done $0x0  }
0x178: {  	s26 =	simm.s32 $0x0;
	s0 =	simm.s32 @!p1 $0xC;
	[sflag:s25] =	ssyncadd.s32 $0xFFFFE000  }
0x179: {  	s7 =	sand.u32 $0x40, s11;
	s1 =	sand.u32 $0x3FFFFC00, s26;
	_ =	swait.ge @!p1 [sflag:s0], $0x800  }
0x17a: {  	s9 =	sor.u32 $0x30, s7;
	s30 =	sadd.s32 $0xA000, s1;
	[sflag:s0] =	ssyncset.done @!p1 $0x0  }
0x17b: {  	s13 =	sadd.s32 $0xA080, s1;
	s16 =	sor.u32 s9, s30;
	[sflag:s0] =	ssyncadd.s32 @!p1 $0xFFFFF800  }
0x17c: {  	s10 =	sadd.s32 $0xA100, s1;
	s17 =	sor.u32 s9, s13;
	v0 =	vld [tilespmem:s16+$0x0]  }
0x17d: {  	s14 =	sadd.s32 $0xA180, s1;
	s18 =	sor.u32 s9, s10;
	v1 =	vld [tilespmem:s17+$0x0]  }
0x17e: {  	s1 =	sadd.s32 $0xA200, s1;
	s19 =	sor.u32 s9, s14;
	v2 =	vld [tilespmem:s18+$0x0]  }
0x17f: {  	s31 =	simm.s32 $0x0;
	s21 =	sor.u32 s9, s1;
	v4 =	vld [tilespmem:s19+$0x0]  }
0x180: {  	s15 =	sor.u32 $0x10, s7;
	s22 =	sor.u32 s7, s30;
	s24 =	sor.u32 s7, s13;
	v5 =	vld [tilespmem:s21+$0x0]  }
0x181: {  	s26 =	sor.u32 s15, s13;
	s5 =	sor.u32 s15, s14;
	s20 =	rddreg [dreg:$0x13];
	v6 =	vld [tilespmem:s22+$0x0]  }
0x182: {  	s25 =	sor.u32 s15, s30;
	s29 =	sadd.s32 s6, s20;
	s20 =	sor.u32 s7, s1;
	v7 =	vld [tilespmem:s24+$0x0]  }
0x183: {  	p1 =	slt.s32 s29, $0x1869;
	s16 =	sor.u32 $0x20, s7;
	s18 =	sor.u32 s7, s10;
	v8 =	vld [tilespmem:s25+$0x0]  }
0x184: {  	s19 =	sor.u32 s7, s14;
	s21 =	sor.u32 s15, s10;
	v62 =	vld [tilespmem:s26+$0x0];
	s30 =	sor.u32 s16, s30  }
0x185: {  	s22 =	simm.s32 $0x0;
	s0 =	sor.u32 s16, s13;
	s13 =	sor.u32 s15, s1;
	v3 =	vmul.f32 v1, v0;
	v0 =	vld [tilespmem:s30+$0x0]  }
0x186: {  	s24 =	sand.u32 $0x3FFFFF00, s22;
	s12 =	sor.u32 s16, s10;
	s22 =	sor.u32 s16, s14;
	v1 =	vld [tilespmem:s0+$0x0]  }
0x187: {  	s8 =	sor.u32 s16, s1;
	s29 =	simm.s32 @!p1 $0x1869;
	s25 =	sadd.s32 $0xE800, s24;
	v63 =	vmul.f32 v2, v3;
	v3 =	vld [tilespmem:s18+$0x0]  }
0x188: {  	s24 =	sadd.s32 $0xE880, s24;
	s17 =	sor.u32 s7, s25;
	s26 =	sor.u32 s9, s25;
	v5 =	vmul.f32 v5, v4;
	v4 =	vld [tilespmem:s20+$0x0]  }
0x189: {  	s14 =	sor.u32 s7, s24;
	s10 =	sor.u32 s15, s25;
	s30 =	sor.u32 s9, s24;
	v2 =	vld [tilespmem:s19+$0x0];
	[tilespmem:s26+$0x0] =	vst v63  }
0x18a: {  	s28 =	sor.u32 s15, s24;
	s25 =	sor.u32 s16, s25;
	s0 =	sor.u32 s16, s24;
	v7 =	vmul.f32 v7, v6;
	v6 =	vld [tilespmem:s21+$0x0];
	[tilespmem:s30+$0x0] =	vst v5;
	v5 =	vmul.f32 v62, v8  }
.LBB2_13:
0x18b: {  	s31 =	sadd.s32 $0x4, s31;
	v8 =	vld [tilespmem:s5+$0x0];
	v0 =	vmul.f32 v1, v0  }
0x18c: {  	s11 =	sadd.s32 $0x40, s11;
	s1 =	sshll.u32 s31, $0x7;
	v1 =	vmul.f32 v3, v7;
	v3 =	vld [tilespmem:s13+$0x0]  }
0x18d: {  	s16 =	sand.u32 $0x40, s11;
	p1 =	slt.u32 s31, $0x3C;
	s1 =	sand.u32 $0x3FFFFC00, s1;
	v7 =	vld [tilespmem:s12+$0x0]  }
0x18e: {  	s15 =	sor.u32 $0x10, s16;
	s19 =	sor.u32 $0x30, s16;
	s5 =	sadd.s32 $0xA000, s1;
	[tilespmem:s17+$0x0] =	vst v1;
	v1 =	vmul.f32 v4, v2;
	v2 =	vld [tilespmem:s22+$0x0]  }
0x18f: {  	s18 =	sor.u32 $0x20, s16;
	s7 =	sadd.s32 $0xA080, s1;
	s9 =	sor.u32 s19, s5;
	v4 =	vmul.f32 v6, v5;
	v5 =	vld [tilespmem:s8+$0x0]  }
0x190: {  	s12 =	sadd.s32 $0xA100, s1;
	s8 =	sor.u32 s16, s5;
	v6 =	vld [tilespmem:s9+$0x0];
	s9 =	sor.u32 s19, s7;
	[tilespmem:s14+$0x0] =	vst v1  }
0x191: {  	s13 =	sor.u32 s16, s7;
	s14 =	sadd.s32 $0xA180, s1;
	v1 =	vld [tilespmem:s9+$0x0];
	s9 =	sor.u32 s19, s12;
	[tilespmem:s10+$0x0] =	vst v4;
	v3 =	vmul.f32 v3, v8  }
0x192: {  	s1 =	sadd.s32 $0xA200, s1;
	s10 =	sor.u32 s15, s5;
	v4 =	vld [tilespmem:s9+$0x0];
	s9 =	sor.u32 s19, s14;
	v0 =	vmul.f32 v7, v0  }
0x193: {  	s17 =	sor.u32 s15, s7;
	s20 =	sor.u32 s18, s5;
	s5 =	sor.u32 s19, s1;
	v7 =	vld [tilespmem:s9+$0x0];
	[tilespmem:s28+$0x0] =	vst v3  }
0x194: {  	s7 =	sor.u32 s18, s7;
	s21 =	sor.u32 s16, s14;
	s9 =	sor.u32 s16, s12;
	v3 =	vld [tilespmem:s5+$0x0];
	[tilespmem:s25+$0x0] =	vst v0;
	v0 =	vmul.f32 v5, v2  }
0x195: {  	s26 =	sor.u32 s15, s12;
	s24 =	sor.u32 s16, s1;
	s5 =	sor.u32 s15, s14;
	v2 =	vld [tilespmem:s8+$0x0]  }
0x196: {  	s12 =	sor.u32 s18, s12;
	s8 =	sshll.u32 s31, $0x5;
	v5 =	vld [tilespmem:s13+$0x0];
	s13 =	sor.u32 s15, s1;
	v1 =	vmul.f32 v1, v6;
	[tilespmem:s0+$0x0] =	vst v0  }
0x197: {  	s22 =	sor.u32 s18, s14;
	s0 =	sand.u32 $0x3FFFFF00, s8;
	s8 =	sor.u32 s18, s1;
	v6 =	vld [tilespmem:s10+$0x0]  }
0x198: {  	s1 =	sadd.s32 $0xE800, s0;
	s0 =	sadd.s32 $0xE880, s0;
	v8 =	vld [tilespmem:s17+$0x0];
	v4 =	vmul.f32 v4, v1  }
0x199: {  	s17 =	sor.u32 s16, s1;
	s14 =	sor.u32 s16, s0;
	v0 =	vld [tilespmem:s20+$0x0];
	s20 =	sor.u32 s19, s1;
	v9 =	vmul.f32 v3, v7  }
.Ltmp7:
0x19a: {  	s10 =	sor.u32 s15, s1;
	v1 =	vld [tilespmem:s7+$0x0];
	[tilespmem:s20+$0x0] =	vst v4;
	s7 =	sor.u32 s19, s0;
	(pc) =	sbr.rel @p1 .LBB2_13-.Ltmp7, $4  }
0x19b: {  	s28 =	sor.u32 s15, s0;
	s25 =	sor.u32 s18, s1;
	s0 =	sor.u32 s18, s0;
	v3 =	vld [tilespmem:s9+$0x0];
	v7 =	vmul.f32 v5, v2;
	[tilespmem:s7+$0x0] =	vst v9  }
0x19c: {  	v2 =	vld [tilespmem:s21+$0x0]  }
0x19d: {  	v4 =	vld [tilespmem:s24+$0x0];
	v5 =	vmul.f32 v8, v6  }
0x19e: {  	v6 =	vld [tilespmem:s26+$0x0]  }
0x19f: {  	v8 =	vld [tilespmem:s5+$0x0]  }
0x1a0: {  	v9 =	vld [tilespmem:s13+$0x0]  }
0x1a1: {  	v10 =	vld [tilespmem:s12+$0x0]  }
0x1a2: {  	v11 =	vld [tilespmem:s22+$0x0]  }
0x1a3: {  	v60 =	vld [tilespmem:s8+$0x0];
	v3 =	vmul.f32 v3, v7  }
0x1a4: {  	v2 =	vmul.f32 v4, v2  }
0x1a5: {  	v0 =	vmul.f32 v1, v0;
	[tilespmem:s17+$0x0] =	vst v3;
	v61 =	vmul.f32 v6, v5  }
0x1a6: {  	[tilespmem:s14+$0x0] =	vst v2;
	v62 =	vmul.f32 v9, v8  }
.Ltmp8:
0x1a7: {  	v0 =	vmul.f32 v10, v0;
	[tilespmem:s10+$0x0] =	vst v61;
	(pc) =	sbr.rel @p0 .LBB2_16-.Ltmp8, $4  }
0x1a8: {  	v63 =	vmul.f32 v60, v11;
	[tilespmem:s28+$0x0] =	vst v62  }
0x1a9: {  	s1 =	sshll.u32 s29, $0x8;
	[tilespmem:s25+$0x0] =	vst v0  }
0x1aa: {  	s31 =	simm.s32 $0xE800;
	s30 =	sadd.s32 s3, s1;
	[tilespmem:s0+$0x0] =	vst v63  }
0x1ab: {  	[hbm4b:s30+s4] =	stream.linear.scatter [tilespmem:s31], [sflag:$0xC], $0x800, $0x38;
	[tilespmem:$0xF000] =	vst v63  }
0x1ac: {  	s0 =	rddreg [dreg:$0x14]  }
0x1ad: {  	s0 =	sadd.s32 s6, s0  }
.Ltmp9:
0x1ae: {  	p0 =	slt.s32 s0, $0x1869;
	(pc) =	sbr.rel .LBB2_2-.Ltmp9, $4  }
0x1af: {  	s0 =	simm.s32 @!p0 $0x1869  }
0x1b0: {  	s0 =	sshll.u32 s0, $0xA  }
0x1b1: {  	s1 =	simm.s32 $0xA000;
	s23 =	sadd.s32 $0x1, s23;
	s0 =	sadd.s32 s2, s0  }
0x1b2: {  	[tilespmem:s1], [sflag:$0x6] =	stream.linear.gather [hbm4b:s0+s4], $0x2000, $0x38;
	[tilespmem:$0xF000] =	vst v63  }
.LBB2_17:
0x1b3: {  	_ =	sfence.sel $0x180000  }
0x1b4: {  	[bflag:$0x0] =	sbarrier.arrive $0xFFFF  }
0x1b5: {  	_ =	strace $0x90000047  }
0x1b6: {  	s0 =	stileid.u32;
	[bflag:$0x2] =	sbarrier.arrive $0xFFFF  }
0x1b7: {  	p0 =	sne.s32 s0, $0x0;
	s0 =	rddreg [dreg:$0x2]  }
0x1b8: {  	s0 =	sadd.s32 @!p0 $0x100000, s0  }
0x1b9: {  	[sflag:s0] =	ssyncadd.tile.s32 @!p0 $0x1;
	_ =	shalt  }
.Lfunc_end2:
_tile_overlayer_lowered:
.L_overlay_start_2:
0x1ba: {  	(tag) =	ssettag $0x2  }
0x1bb: {  	s0 =	rddreg [dreg:$0x0];
	s2 =	stileid.u32  }
0x1bc: {  	s1 =	rddreg [dreg:$0x1];
	p0 =	sne.s32 s2, $0x0  }
0x1bd: {  	s3 =	rddreg [dreg:$0x2];
	[bflag:$0x3] =	sbarrier.arrive $0xFFFF;
	s2 =	simm.s32 @!p0 $0x1C0D  }
0x1be: {  	[timem:s3], [sflag:s2] =	dma.local @!p0 [hbm:s0], s1  }
0x1bf: {  	s0 =	simm.s32 @!p0 $0xD  }
0x1c0: {  	_ =	swait.ge @!p0 [sflag:s0], s1  }
0x1c1: {  	s1 =	ssub.s32 @!p0 $0x0, s1;
	[sflag:s0] =	ssyncset.done @!p0 $0x0  }
0x1c2: {  	[sflag:s0] =	ssyncadd.s32 @!p0 s1  }
0x1c3: {  	[bflag:$0x3] =	sbarrier.arrive $0xFFFF  }
0x1c4: {  	_ =	shalt  }

</sc_bundles>
